<compile_context>
chip_gen: v7x
topology: tpu7x:2x2x1
jax: 0.10.2.dev20260603
libtpu: 0.0.44.dev20260713+nightly
codegen_flags: <defaults>
</compile_context>

<pallas_src>
import jax
import jax.numpy as jnp
from jax.experimental import pallas as pl
from jax.experimental.pallas import tpu as pltpu
from jax.experimental.pallas import tpu_sc as plsc

_N_ROWS = 16384
_N_COLS = 2048
_OUT_ROWS = _N_ROWS // 2

_SPLIT = 6144

_TC_BLK = 512
_SC_BLK_R = 8


def _tc_mean_body(x1_ref, x2_ref, o_ref):
    o_ref[...] = (x1_ref[...] + x2_ref[...]) * 0.5


def _tc_part(x_cat):
    n_blocks = _SPLIT // _TC_BLK
    half_off = _OUT_ROWS // _TC_BLK
    return pl.pallas_call(
        _tc_mean_body,
        grid=(n_blocks,),
        in_specs=[
            pl.BlockSpec((_TC_BLK, _N_COLS), lambda i: (i, 0)),
            pl.BlockSpec((_TC_BLK, _N_COLS), lambda i: (i + half_off, 0)),
        ],
        out_specs=pl.BlockSpec((_TC_BLK, _N_COLS), lambda i: (i, 0)),
        out_shape=jax.ShapeDtypeStruct((_SPLIT, _N_COLS), x_cat.dtype),
        compiler_params=pltpu.CompilerParams(
            dimension_semantics=("arbitrary",),
        ),
    )(x_cat, x_cat)


def _sc_part(x_cat):
    sc_rows = _OUT_ROWS - _SPLIT
    n_blocks = sc_rows // _SC_BLK_R
    off1 = _SPLIT // _SC_BLK_R
    off2 = (_OUT_ROWS + _SPLIT) // _SC_BLK_R
    mesh = plsc.VectorSubcoreMesh(core_axis_name="core", subcore_axis_name="subcore")

    @pl.kernel(
        out_type=jax.ShapeDtypeStruct((sc_rows, _N_COLS), jnp.float32),
        mesh=mesh,
        compiler_params=pltpu.CompilerParams(needs_layout_passes=False),
    )
    def run(x_hbm, y_hbm, o_hbm):
        def body(x1_v, x2_v, o_v):
            for r in range(_SC_BLK_R):
                @plsc.parallel_loop(0, _N_COLS, 16, unroll=8)
                def _(c):
                    s = pl.ds(c, 16)
                    o_v[r, s] = (x1_v[r, s] + x2_v[r, s]) * 0.5

        pltpu.emit_pipeline(
            body,
            grid=(n_blocks,),
            in_specs=[
                pl.BlockSpec((_SC_BLK_R, _N_COLS), lambda i: (i + off1, 0)),
                pl.BlockSpec((_SC_BLK_R, _N_COLS), lambda i: (i + off2, 0)),
            ],
            out_specs=[pl.BlockSpec((_SC_BLK_R, _N_COLS), lambda i: (i, 0))],
            core_axis_name=("core", "subcore"),
            dimension_semantics=(pltpu.PARALLEL,),
        )(x_hbm, y_hbm, o_hbm)

    return run(x_cat, x_cat)


def kernel(x_cat):
    top = _tc_part(x_cat)
    bottom = _sc_part(x_cat)
    return jnp.concatenate([top, bottom], axis=0)

# --- scband reference (transcript-rebuilt; emitter-appended) ---
"""Pipeline reference for scband-adder2-44616120271566 (READ-ONLY COPY).

The authoritative reference and input builder live on the scoring server;
editing this copy changes nothing except your own understanding.
"""

import jax, jax.numpy as jnp
import numpy as np

OUT_FEATURES = 2048
N_ROWS = 16384

def setup_inputs(seed: int = 0) -> dict:
    key = jax.random.key(seed)
    x_cat = jax.random.normal(key, (N_ROWS, OUT_FEATURES), dtype=jnp.float32)
    return {"x_cat": x_cat}

def reference(x_cat):
    # Adder2.forward with is_lut_inference=False, apply_input_quant=False,
    # apply_output_quant=False:
    #   x1 = x_cat[0:x_len]; x2 = x_cat[x_len:2*x_len]
    #   output = mean(stack((x1, x2), dim=0), dim=0)
    x_len = x_cat.shape[0] // 2
    x1 = x_cat[0:x_len]
    x2 = x_cat[x_len:x_len * 2]
    output = jnp.mean(jnp.stack((x1, x2), axis=0), axis=0)
    return output

if __name__ == "__main__":
    import jax
    _d = setup_inputs()
    print(jax.jit(kernel)(*tuple(_d.values())))

</pallas_src>

<mosaic_0001>
#map = affine_map<(d0, d1) -> (0, 0)>
module attributes {stable_mosaic.version = 14 : i64} {
  func.func @run(%arg0: i32, %arg1: i32, %arg2: memref<16384x2048xf32, #tpu.memory_space<hbm>>, %arg3: memref<16384x2048xf32, #tpu.memory_space<hbm>>, %arg4: memref<2048x2048xf32, #tpu.memory_space<hbm>>) attributes {dimension_semantics = [#tpu.dimension_semantics<core_parallel>, #tpu.dimension_semantics<subcore_parallel>], iteration_bounds = array<i64: 2, 16>, scalar_prefetch = 0 : i64, scratch_operands = 0 : i64, tpu.core_type = #tpu.core_type<sc_vector_subcore>, window_params = [{transform_indices = #map}, {transform_indices = #map}, {transform_indices = #map}]} {
    %mul3A = arith.constant 1 : i32
    %mul3A_0 = arith.muli %arg1, %mul3A : i32
    %add3A = arith.constant 0 : i32
    %add3A_1 = arith.addi %add3A, %mul3A_0 : i32
    %mul3A_2 = arith.constant 16 : i32
    %mul3A_3 = arith.muli %arg0, %mul3A_2 : i32
    %add3A_4 = arith.addi %add3A_1, %mul3A_3 : i32
    %mul3A_5 = arith.constant 8 : i32
    %mul3A_6 = arith.muli %add3A_4, %mul3A_5 : i32
    "tpu.region"() ({
      %run_scoped3A = memref.alloca() : memref<2x8x2048xf32, #tpu.memory_space<vmem>>
      %run_scoped3A_7 = tpu.sem_alloc : memref<2x!tpu.dma_semaphore, #tpu.memory_space<semaphore_mem>>
      %run_scoped3A_8 = memref.alloca() : memref<2x8x2048xf32, #tpu.memory_space<vmem>>
      %run_scoped3A_9 = tpu.sem_alloc : memref<2x!tpu.dma_semaphore, #tpu.memory_space<semaphore_mem>>
      %run_scoped3A_10 = memref.alloca() : memref<2x8x2048xf32, #tpu.memory_space<vmem>>
      %run_scoped3A_11 = tpu.sem_alloc : memref<2x!tpu.dma_semaphore, #tpu.memory_space<semaphore_mem>>
      %add3A_12 = arith.constant 0 : i32
      %add3A_13 = arith.addi %add3A_12, %mul3A_6 : i32
      %select_n3A = arith.constant true
      %select_n3A_14 = arith.constant 0 : i32
      %select_n3A_15 = arith.constant -1 : i32
      %select_n3A_16 = arith.select %select_n3A, %select_n3A_15, %select_n3A_14 : i32
      %eq3A = arith.constant -1 : i32
      %eq3A_17 = arith.cmpi eq, %select_n3A_16, %eq3A : i32
      %select_n3A_18 = arith.constant 7 : i32
      %select_n3A_19 = arith.select %eq3A_17, %select_n3A_18, %select_n3A_16 : i32
      %add3A_20 = arith.addi %select_n3A_19, %mul3A_6 : i32
      %select_n3A_21 = arith.constant true
      %select_n3A_22 = arith.constant 0 : i32
      %select_n3A_23 = arith.constant 1 : i32
      %select_n3A_24 = arith.select %select_n3A_21, %select_n3A_23, %select_n3A_22 : i32
      %eq3A_25 = arith.constant 8 : i32
      %eq3A_26 = arith.cmpi eq, %select_n3A_24, %eq3A_25 : i32
      %select_n3A_27 = arith.constant 0 : i32
      %select_n3A_28 = arith.select %eq3A_26, %select_n3A_27, %select_n3A_24 : i32
      %add3A_29 = arith.addi %select_n3A_28, %mul3A_6 : i32
      %add3A_30 = arith.constant 1 : i32
      %add3A_31 = arith.addi %select_n3A_28, %add3A_30 : i32
      %select_n3A_32 = arith.constant true
      %select_n3A_33 = arith.select %select_n3A_32, %add3A_31, %select_n3A_28 : i32
      %eq3A_34 = arith.constant 8 : i32
      %eq3A_35 = arith.cmpi eq, %select_n3A_33, %eq3A_34 : i32
      %select_n3A_36 = arith.constant 0 : i32
      %select_n3A_37 = arith.select %eq3A_35, %select_n3A_36, %select_n3A_33 : i32
      %add3A_38 = arith.addi %select_n3A_37, %mul3A_6 : i32
      "tpu.trace_start"() <{level = 10 : i32, message = "ep_initialize_0"}> : () -> ()
      %rem3A = arith.constant 0 : i32
      %rem3A_39 = arith.constant 2 : i32
      %rem3A_40 = arith.remui %rem3A, %rem3A_39 : i32
      %add3A_41 = arith.constant 768 : i32
      %add3A_42 = arith.addi %add3A_13, %add3A_41 : i32
      %mul3A_43 = arith.constant 8 : i32
      %mul3A_44 = arith.muli %mul3A_43, %add3A_42 : i32
      %dma_start3A = arith.constant 0 : i32
      %dma_start3A_45 = arith.constant 0 : i32
      %dma_start3A_46 = tpu.memref_slice %run_scoped3A[%rem3A_40, %dma_start3A, %dma_start3A_45] : memref<2x8x2048xf32, #tpu.memory_space<vmem>> -> memref<1x8x2048xf32, #tpu.memory_space<vmem>>
      %dma_start3A_47 = tpu.memref_squeeze %dma_start3A_46 : memref<1x8x2048xf32, #tpu.memory_space<vmem>> -> memref<8x2048xf32, #tpu.memory_space<vmem>>
      %dma_start3A_48 = arith.constant 0 : i32
      %dma_start3A_49 = tpu.memref_slice %arg2[%mul3A_44, %dma_start3A_48] : memref<16384x2048xf32, #tpu.memory_space<hbm>> -> memref<8x2048xf32, #tpu.memory_space<hbm>>
      %dma_start3A_50 = tpu.memref_slice %run_scoped3A_7[%rem3A_40] : memref<2x!tpu.dma_semaphore, #tpu.memory_space<semaphore_mem>> -> memref<1x!tpu.dma_semaphore, #tpu.memory_space<semaphore_mem>>
      %dma_start3A_51 = tpu.memref_squeeze %dma_start3A_50 : memref<1x!tpu.dma_semaphore, #tpu.memory_space<semaphore_mem>> -> memref<!tpu.dma_semaphore, #tpu.memory_space<semaphore_mem>>
      %dma_start3A_52 = arith.constant 0 : i32
      %dma_start3A_53 = arith.constant 0 : i32
      %dma_start3A_54 = tpu.memref_slice %run_scoped3A[%rem3A_40, %dma_start3A_52, %dma_start3A_53] : memref<2x8x2048xf32, #tpu.memory_space<vmem>> -> memref<1x8x2048xf32, #tpu.memory_space<vmem>>
      %dma_start3A_55 = tpu.memref_squeeze %dma_start3A_54 : memref<1x8x2048xf32, #tpu.memory_space<vmem>> -> memref<8x2048xf32, #tpu.memory_space<vmem>>
      %dma_start3A_56 = arith.constant 0 : i32
      %dma_start3A_57 = tpu.memref_slice %arg2[%mul3A_44, %dma_start3A_56] : memref<16384x2048xf32, #tpu.memory_space<hbm>> -> memref<8x2048xf32, #tpu.memory_space<hbm>>
      tpu.enqueue_dma source(%dma_start3A_57 : memref<8x2048xf32, #tpu.memory_space<hbm>>) target(%dma_start3A_55 : memref<8x2048xf32, #tpu.memory_space<vmem>>) target_semaphore(%dma_start3A_51 : memref<!tpu.dma_semaphore, #tpu.memory_space<semaphore_mem>>)
      %add3A_58 = arith.constant 0 : i32
      %add3A_59 = arith.constant 1 : i32
      %add3A_60 = arith.addi %add3A_58, %add3A_59 : i32
      %select_n3A_61 = arith.constant true
      %select_n3A_62 = arith.constant 0 : i32
      %select_n3A_63 = arith.select %select_n3A_61, %add3A_60, %select_n3A_62 : i32
      %rem3A_64 = arith.constant 0 : i32
      %rem3A_65 = arith.constant 2 : i32
      %rem3A_66 = arith.remui %rem3A_64, %rem3A_65 : i32
      %add3A_67 = arith.constant 1792 : i32
      %add3A_68 = arith.addi %add3A_13, %add3A_67 : i32
      %mul3A_69 = arith.constant 8 : i32
      %mul3A_70 = arith.muli %mul3A_69, %add3A_68 : i32
      %dma_start3A_71 = arith.constant 0 : i32
      %dma_start3A_72 = arith.constant 0 : i32
      %dma_start3A_73 = tpu.memref_slice %run_scoped3A_8[%rem3A_66, %dma_start3A_71, %dma_start3A_72] : memref<2x8x2048xf32, #tpu.memory_space<vmem>> -> memref<1x8x2048xf32, #tpu.memory_space<vmem>>
      %dma_start3A_74 = tpu.memref_squeeze %dma_start3A_73 : memref<1x8x2048xf32, #tpu.memory_space<vmem>> -> memref<8x2048xf32, #tpu.memory_space<vmem>>
      %dma_start3A_75 = arith.constant 0 : i32
      %dma_start3A_76 = tpu.memref_slice %arg3[%mul3A_70, %dma_start3A_75] : memref<16384x2048xf32, #tpu.memory_space<hbm>> -> memref<8x2048xf32, #tpu.memory_space<hbm>>
      %dma_start3A_77 = tpu.memref_slice %run_scoped3A_9[%rem3A_66] : memref<2x!tpu.dma_semaphore, #tpu.memory_space<semaphore_mem>> -> memref<1x!tpu.dma_semaphore, #tpu.memory_space<semaphore_mem>>
      %dma_start3A_78 = tpu.memref_squeeze %dma_start3A_77 : memref<1x!tpu.dma_semaphore, #tpu.memory_space<semaphore_mem>> -> memref<!tpu.dma_semaphore, #tpu.memory_space<semaphore_mem>>
      %dma_start3A_79 = arith.constant 0 : i32
      %dma_start3A_80 = arith.constant 0 : i32
      %dma_start3A_81 = tpu.memref_slice %run_scoped3A_8[%rem3A_66, %dma_start3A_79, %dma_start3A_80] : memref<2x8x2048xf32, #tpu.memory_space<vmem>> -> memref<1x8x2048xf32, #tpu.memory_space<vmem>>
      %dma_start3A_82 = tpu.memref_squeeze %dma_start3A_81 : memref<1x8x2048xf32, #tpu.memory_space<vmem>> -> memref<8x2048xf32, #tpu.memory_space<vmem>>
      %dma_start3A_83 = arith.constant 0 : i32
      %dma_start3A_84 = tpu.memref_slice %arg3[%mul3A_70, %dma_start3A_83] : memref<16384x2048xf32, #tpu.memory_space<hbm>> -> memref<8x2048xf32, #tpu.memory_space<hbm>>
      tpu.enqueue_dma source(%dma_start3A_84 : memref<8x2048xf32, #tpu.memory_space<hbm>>) target(%dma_start3A_82 : memref<8x2048xf32, #tpu.memory_space<vmem>>) target_semaphore(%dma_start3A_78 : memref<!tpu.dma_semaphore, #tpu.memory_space<semaphore_mem>>)
      %add3A_85 = arith.constant 0 : i32
      %add3A_86 = arith.constant 1 : i32
      %add3A_87 = arith.addi %add3A_85, %add3A_86 : i32
      %select_n3A_88 = arith.constant true
      %select_n3A_89 = arith.constant 0 : i32
      %select_n3A_90 = arith.select %select_n3A_88, %add3A_87, %select_n3A_89 : i32
      "tpu.trace_stop"() : () -> ()
      %scan3A = arith.constant 0 : i32
      %scan3A_91 = arith.constant 0 : i32
      %scan3A_92 = arith.constant 0 : i32
      %scan3A_93 = arith.constant 0 : i32
      %scan3A_94 = arith.constant 0 : i32
      %scan3A_95 = arith.constant 0 : i32
      %scan3A_96 = arith.constant 8 : i32
      %scan3A_97 = arith.addi %scan3A_95, %scan3A_96 : i32
      %scan3A_98 = arith.constant 1 : i32
      %scan3A_99:7 = scf.for %scan3A_153 = %scan3A_95 to %scan3A_97 step %scan3A_98 iter_args(%scan3A_154 = %select_n3A_63, %scan3A_155 = %scan3A, %scan3A_156 = %select_n3A_90, %scan3A_157 = %scan3A_91, %scan3A_158 = %scan3A_92, %scan3A_159 = %scan3A_93, %scan3A_160 = %scan3A_94) -> (i32, i32, i32, i32, i32, i32, i32)  : i32 {
        %eq3A_161 = arith.constant 0 : i32
        %eq3A_162 = arith.cmpi eq, %scan3A_153, %eq3A_161 : i32
        %eq3A_163 = arith.constant 7 : i32
        %eq3A_164 = arith.cmpi eq, %scan3A_153, %eq3A_163 : i32
        %add3A_165 = arith.addi %scan3A_160, %mul3A_6 : i32
        %sub3A_166 = arith.constant 1 : i32
        %sub3A_167 = arith.subi %scan3A_160, %sub3A_166 : i32
        %select_n3A_168 = arith.constant true
        %select_n3A_169 = arith.select %select_n3A_168, %sub3A_167, %scan3A_160 : i32
        %eq3A_170 = arith.constant -1 : i32
        %eq3A_171 = arith.cmpi eq, %select_n3A_169, %eq3A_170 : i32
        %select_n3A_172 = arith.constant 7 : i32
        %select_n3A_173 = arith.select %eq3A_171, %select_n3A_172, %select_n3A_169 : i32
        %add3A_174 = arith.addi %select_n3A_173, %mul3A_6 : i32
        %add3A_175 = arith.constant 1 : i32
        %add3A_176 = arith.addi %scan3A_160, %add3A_175 : i32
        %select_n3A_177 = arith.constant true
        %select_n3A_178 = arith.select %select_n3A_177, %add3A_176, %scan3A_160 : i32
        %eq3A_179 = arith.constant 8 : i32
        %eq3A_180 = arith.cmpi eq, %select_n3A_178, %eq3A_179 : i32
        %select_n3A_181 = arith.constant 0 : i32
        %select_n3A_182 = arith.select %eq3A_180, %select_n3A_181, %select_n3A_178 : i32
        %add3A_183 = arith.addi %select_n3A_182, %mul3A_6 : i32
        %add3A_184 = arith.constant 1 : i32
        %add3A_185 = arith.addi %select_n3A_182, %add3A_184 : i32
        %select_n3A_186 = arith.constant true
        %select_n3A_187 = arith.select %select_n3A_186, %add3A_185, %select_n3A_182 : i32
        %eq3A_188 = arith.constant 8 : i32
        %eq3A_189 = arith.cmpi eq, %select_n3A_187, %eq3A_188 : i32
        %select_n3A_190 = arith.constant 0 : i32
        %select_n3A_191 = arith.select %eq3A_189, %select_n3A_190, %select_n3A_187 : i32
        %add3A_192 = arith.addi %select_n3A_191, %mul3A_6 : i32
        %add3A_193 = arith.constant 768 : i32
        %add3A_194 = arith.addi %add3A_165, %add3A_193 : i32
        %add3A_195 = arith.constant 768 : i32
        %add3A_196 = arith.addi %add3A_183, %add3A_195 : i32
        %ne3A = arith.cmpi ne, %add3A_194, %add3A_196 : i32
        %or3A = arith.constant false
        %or3A_197 = arith.ori %or3A, %ne3A : i1
        %or3A_198 = arith.constant false
        %or3A_199 = arith.ori %or3A_197, %or3A_198 : i1
        %ge3A = arith.constant 7 : i32
        %ge3A_200 = arith.cmpi sge, %scan3A_153, %ge3A : i32
        %not3A = arith.constant true
        %not3A_201 = arith.xori %ge3A_200, %not3A : i1
        %and3A = arith.andi %or3A_199, %not3A_201 : i1
        %convert_element_type3A = arith.extui %and3A : i1 to i32
        %cond3A = arith.constant 0 : i32
        %cond3A_202 = arith.cmpi ne, %convert_element_type3A, %cond3A : i32
        scf.if %cond3A_202 {
          "tpu.trace_start"() <{level = 10 : i32, message = "ep_copy_in"}> : () -> ()
          %rem3A_432 = arith.constant 2 : i32
          %rem3A_433 = arith.remui %scan3A_154, %rem3A_432 : i32
          %add3A_434 = arith.constant 768 : i32
          %add3A_435 = arith.addi %add3A_183, %add3A_434 : i32
          %mul3A_436 = arith.constant 8 : i32
          %mul3A_437 = arith.muli %mul3A_436, %add3A_435 : i32
          %dma_start3A_438 = arith.constant 0 : i32
          %dma_start3A_439 = arith.constant 0 : i32
          %dma_start3A_440 = tpu.memref_slice %run_scoped3A[%rem3A_433, %dma_start3A_438, %dma_start3A_439] : memref<2x8x2048xf32, #tpu.memory_space<vmem>> -> memref<1x8x2048xf32, #tpu.memory_space<vmem>>
          %dma_start3A_441 = tpu.memref_squeeze %dma_start3A_440 : memref<1x8x2048xf32, #tpu.memory_space<vmem>> -> memref<8x2048xf32, #tpu.memory_space<vmem>>
          %dma_start3A_442 = arith.constant 0 : i32
          %dma_start3A_443 = tpu.memref_slice %arg2[%mul3A_437, %dma_start3A_442] : memref<16384x2048xf32, #tpu.memory_space<hbm>> -> memref<8x2048xf32, #tpu.memory_space<hbm>>
          %dma_start3A_444 = tpu.memref_slice %run_scoped3A_7[%rem3A_433] : memref<2x!tpu.dma_semaphore, #tpu.memory_space<semaphore_mem>> -> memref<1x!tpu.dma_semaphore, #tpu.memory_space<semaphore_mem>>
          %dma_start3A_445 = tpu.memref_squeeze %dma_start3A_444 : memref<1x!tpu.dma_semaphore, #tpu.memory_space<semaphore_mem>> -> memref<!tpu.dma_semaphore, #tpu.memory_space<semaphore_mem>>
          %dma_start3A_446 = arith.constant 0 : i32
          %dma_start3A_447 = arith.constant 0 : i32
          %dma_start3A_448 = tpu.memref_slice %run_scoped3A[%rem3A_433, %dma_start3A_446, %dma_start3A_447] : memref<2x8x2048xf32, #tpu.memory_space<vmem>> -> memref<1x8x2048xf32, #tpu.memory_space<vmem>>
          %dma_start3A_449 = tpu.memref_squeeze %dma_start3A_448 : memref<1x8x2048xf32, #tpu.memory_space<vmem>> -> memref<8x2048xf32, #tpu.memory_space<vmem>>
          %dma_start3A_450 = arith.constant 0 : i32
          %dma_start3A_451 = tpu.memref_slice %arg2[%mul3A_437, %dma_start3A_450] : memref<16384x2048xf32, #tpu.memory_space<hbm>> -> memref<8x2048xf32, #tpu.memory_space<hbm>>
          tpu.enqueue_dma source(%dma_start3A_451 : memref<8x2048xf32, #tpu.memory_space<hbm>>) target(%dma_start3A_449 : memref<8x2048xf32, #tpu.memory_space<vmem>>) target_semaphore(%dma_start3A_445 : memref<!tpu.dma_semaphore, #tpu.memory_space<semaphore_mem>>)
          "tpu.trace_stop"() : () -> ()
        } else {
        }
        %and3A_203 = arith.constant true
        %and3A_204 = arith.andi %and3A, %and3A_203 : i1
        %add3A_205 = arith.constant 1 : i32
        %add3A_206 = arith.addi %scan3A_154, %add3A_205 : i32
        %select_n3A_207 = arith.select %and3A_204, %add3A_206, %scan3A_154 : i32
        %add3A_208 = arith.constant 1792 : i32
        %add3A_209 = arith.addi %add3A_165, %add3A_208 : i32
        %add3A_210 = arith.constant 1792 : i32
        %add3A_211 = arith.addi %add3A_183, %add3A_210 : i32
        %ne3A_212 = arith.cmpi ne, %add3A_209, %add3A_211 : i32
        %or3A_213 = arith.constant false
        %or3A_214 = arith.ori %or3A_213, %ne3A_212 : i1
        %or3A_215 = arith.constant false
        %or3A_216 = arith.ori %or3A_214, %or3A_215 : i1
        %ge3A_217 = arith.constant 7 : i32
        %ge3A_218 = arith.cmpi sge, %scan3A_153, %ge3A_217 : i32
        %not3A_219 = arith.constant true
        %not3A_220 = arith.xori %ge3A_218, %not3A_219 : i1
        %and3A_221 = arith.andi %or3A_216, %not3A_220 : i1
        %convert_element_type3A_222 = arith.extui %and3A_221 : i1 to i32
        %cond3A_223 = arith.constant 0 : i32
        %cond3A_224 = arith.cmpi ne, %convert_element_type3A_222, %cond3A_223 : i32
        scf.if %cond3A_224 {
          "tpu.trace_start"() <{level = 10 : i32, message = "ep_copy_in"}> : () -> ()
          %rem3A_432 = arith.constant 2 : i32
          %rem3A_433 = arith.remui %scan3A_156, %rem3A_432 : i32
          %add3A_434 = arith.constant 1792 : i32
          %add3A_435 = arith.addi %add3A_183, %add3A_434 : i32
          %mul3A_436 = arith.constant 8 : i32
          %mul3A_437 = arith.muli %mul3A_436, %add3A_435 : i32
          %dma_start3A_438 = arith.constant 0 : i32
          %dma_start3A_439 = arith.constant 0 : i32
          %dma_start3A_440 = tpu.memref_slice %run_scoped3A_8[%rem3A_433, %dma_start3A_438, %dma_start3A_439] : memref<2x8x2048xf32, #tpu.memory_space<vmem>> -> memref<1x8x2048xf32, #tpu.memory_space<vmem>>
          %dma_start3A_441 = tpu.memref_squeeze %dma_start3A_440 : memref<1x8x2048xf32, #tpu.memory_space<vmem>> -> memref<8x2048xf32, #tpu.memory_space<vmem>>
          %dma_start3A_442 = arith.constant 0 : i32
          %dma_start3A_443 = tpu.memref_slice %arg3[%mul3A_437, %dma_start3A_442] : memref<16384x2048xf32, #tpu.memory_space<hbm>> -> memref<8x2048xf32, #tpu.memory_space<hbm>>
          %dma_start3A_444 = tpu.memref_slice %run_scoped3A_9[%rem3A_433] : memref<2x!tpu.dma_semaphore, #tpu.memory_space<semaphore_mem>> -> memref<1x!tpu.dma_semaphore, #tpu.memory_space<semaphore_mem>>
          %dma_start3A_445 = tpu.memref_squeeze %dma_start3A_444 : memref<1x!tpu.dma_semaphore, #tpu.memory_space<semaphore_mem>> -> memref<!tpu.dma_semaphore, #tpu.memory_space<semaphore_mem>>
          %dma_start3A_446 = arith.constant 0 : i32
          %dma_start3A_447 = arith.constant 0 : i32
          %dma_start3A_448 = tpu.memref_slice %run_scoped3A_8[%rem3A_433, %dma_start3A_446, %dma_start3A_447] : memref<2x8x2048xf32, #tpu.memory_space<vmem>> -> memref<1x8x2048xf32, #tpu.memory_space<vmem>>
          %dma_start3A_449 = tpu.memref_squeeze %dma_start3A_448 : memref<1x8x2048xf32, #tpu.memory_space<vmem>> -> memref<8x2048xf32, #tpu.memory_space<vmem>>
          %dma_start3A_450 = arith.constant 0 : i32
          %dma_start3A_451 = tpu.memref_slice %arg3[%mul3A_437, %dma_start3A_450] : memref<16384x2048xf32, #tpu.memory_space<hbm>> -> memref<8x2048xf32, #tpu.memory_space<hbm>>
          tpu.enqueue_dma source(%dma_start3A_451 : memref<8x2048xf32, #tpu.memory_space<hbm>>) target(%dma_start3A_449 : memref<8x2048xf32, #tpu.memory_space<vmem>>) target_semaphore(%dma_start3A_445 : memref<!tpu.dma_semaphore, #tpu.memory_space<semaphore_mem>>)
          "tpu.trace_stop"() : () -> ()
        } else {
        }
        %and3A_225 = arith.constant true
        %and3A_226 = arith.andi %and3A_221, %and3A_225 : i1
        %add3A_227 = arith.constant 1 : i32
        %add3A_228 = arith.addi %scan3A_156, %add3A_227 : i32
        %select_n3A_229 = arith.select %and3A_226, %add3A_228, %scan3A_156 : i32
        %ne3A_230 = arith.cmpi ne, %add3A_165, %add3A_183 : i32
        %or3A_231 = arith.constant false
        %or3A_232 = arith.ori %or3A_231, %ne3A_230 : i1
        %or3A_233 = arith.constant false
        %or3A_234 = arith.ori %or3A_232, %or3A_233 : i1
        %ge3A_235 = arith.constant 7 : i32
        %ge3A_236 = arith.cmpi sge, %scan3A_153, %ge3A_235 : i32
        %not3A_237 = arith.constant true
        %not3A_238 = arith.xori %ge3A_236, %not3A_237 : i1
        %and3A_239 = arith.andi %or3A_234, %not3A_238 : i1
        %add3A_240 = arith.constant 768 : i32
        %add3A_241 = arith.addi %add3A_165, %add3A_240 : i32
        %add3A_242 = arith.constant 768 : i32
        %add3A_243 = arith.addi %add3A_174, %add3A_242 : i32
        %ne3A_244 = arith.cmpi ne, %add3A_241, %add3A_243 : i32
        %or3A_245 = arith.constant false
        %or3A_246 = arith.ori %or3A_245, %ne3A_244 : i1
        %or3A_247 = arith.constant false
        %or3A_248 = arith.ori %or3A_246, %or3A_247 : i1
        %or3A_249 = arith.ori %or3A_248, %eq3A_162 : i1
        %convert_element_type3A_250 = arith.extui %or3A_249 : i1 to i32
        %cond3A_251 = arith.constant 0 : i32
        %cond3A_252 = arith.cmpi ne, %convert_element_type3A_250, %cond3A_251 : i32
        scf.if %cond3A_252 {
          "tpu.trace_start"() <{level = 10 : i32, message = "ep_wait_in"}> : () -> ()
          %add3A_432 = arith.constant 768 : i32
          %add3A_433 = arith.addi %add3A_165, %add3A_432 : i32
          %mul3A_434 = arith.constant 8 : i32
          %mul3A_435 = arith.muli %mul3A_434, %add3A_433 : i32
          %rem3A_436 = arith.constant 2 : i32
          %rem3A_437 = arith.remui %scan3A_155, %rem3A_436 : i32
          %dma_wait3A_438 = arith.constant 0 : i32
          %dma_wait3A_439 = arith.constant 0 : i32
          %dma_wait3A_440 = tpu.memref_slice %run_scoped3A[%rem3A_437, %dma_wait3A_438, %dma_wait3A_439] : memref<2x8x2048xf32, #tpu.memory_space<vmem>> -> memref<1x8x2048xf32, #tpu.memory_space<vmem>>
          %dma_wait3A_441 = tpu.memref_squeeze %dma_wait3A_440 : memref<1x8x2048xf32, #tpu.memory_space<vmem>> -> memref<8x2048xf32, #tpu.memory_space<vmem>>
          %dma_wait3A_442 = arith.constant 0 : i32
          %dma_wait3A_443 = tpu.memref_slice %arg2[%mul3A_435, %dma_wait3A_442] : memref<16384x2048xf32, #tpu.memory_space<hbm>> -> memref<8x2048xf32, #tpu.memory_space<hbm>>
          %dma_wait3A_444 = tpu.memref_slice %run_scoped3A_7[%rem3A_437] : memref<2x!tpu.dma_semaphore, #tpu.memory_space<semaphore_mem>> -> memref<1x!tpu.dma_semaphore, #tpu.memory_space<semaphore_mem>>
          %dma_wait3A_445 = tpu.memref_squeeze %dma_wait3A_444 : memref<1x!tpu.dma_semaphore, #tpu.memory_space<semaphore_mem>> -> memref<!tpu.dma_semaphore, #tpu.memory_space<semaphore_mem>>
          %dma_wait3A_446 = arith.constant 0 : i32
          %dma_wait3A_447 = arith.constant 0 : i32
          %dma_wait3A_448 = tpu.memref_slice %run_scoped3A[%rem3A_437, %dma_wait3A_446, %dma_wait3A_447] : memref<2x8x2048xf32, #tpu.memory_space<vmem>> -> memref<1x8x2048xf32, #tpu.memory_space<vmem>>
          %dma_wait3A_449 = tpu.memref_squeeze %dma_wait3A_448 : memref<1x8x2048xf32, #tpu.memory_space<vmem>> -> memref<8x2048xf32, #tpu.memory_space<vmem>>
          %dma_wait3A_450 = arith.constant 0 : i32
          %dma_wait3A_451 = tpu.memref_slice %arg2[%mul3A_435, %dma_wait3A_450] : memref<16384x2048xf32, #tpu.memory_space<hbm>> -> memref<8x2048xf32, #tpu.memory_space<hbm>>
          tpu.wait_dma2 semaphore(%dma_wait3A_445 : memref<!tpu.dma_semaphore, #tpu.memory_space<semaphore_mem>>) src(%dma_wait3A_451 : memref<8x2048xf32, #tpu.memory_space<hbm>>) dst(%dma_wait3A_449 : memref<8x2048xf32, #tpu.memory_space<vmem>>)
          "tpu.trace_stop"() : () -> ()
        } else {
        }
        %add3A_253 = arith.constant 1792 : i32
        %add3A_254 = arith.addi %add3A_165, %add3A_253 : i32
        %add3A_255 = arith.constant 1792 : i32
        %add3A_256 = arith.addi %add3A_174, %add3A_255 : i32
        %ne3A_257 = arith.cmpi ne, %add3A_254, %add3A_256 : i32
        %or3A_258 = arith.constant false
        %or3A_259 = arith.ori %or3A_258, %ne3A_257 : i1
        %or3A_260 = arith.constant false
        %or3A_261 = arith.ori %or3A_259, %or3A_260 : i1
        %or3A_262 = arith.ori %or3A_261, %eq3A_162 : i1
        %convert_element_type3A_263 = arith.extui %or3A_262 : i1 to i32
        %cond3A_264 = arith.constant 0 : i32
        %cond3A_265 = arith.cmpi ne, %convert_element_type3A_263, %cond3A_264 : i32
        scf.if %cond3A_265 {
          "tpu.trace_start"() <{level = 10 : i32, message = "ep_wait_in"}> : () -> ()
          %add3A_432 = arith.constant 1792 : i32
          %add3A_433 = arith.addi %add3A_165, %add3A_432 : i32
          %mul3A_434 = arith.constant 8 : i32
          %mul3A_435 = arith.muli %mul3A_434, %add3A_433 : i32
          %rem3A_436 = arith.constant 2 : i32
          %rem3A_437 = arith.remui %scan3A_157, %rem3A_436 : i32
          %dma_wait3A_438 = arith.constant 0 : i32
          %dma_wait3A_439 = arith.constant 0 : i32
          %dma_wait3A_440 = tpu.memref_slice %run_scoped3A_8[%rem3A_437, %dma_wait3A_438, %dma_wait3A_439] : memref<2x8x2048xf32, #tpu.memory_space<vmem>> -> memref<1x8x2048xf32, #tpu.memory_space<vmem>>
          %dma_wait3A_441 = tpu.memref_squeeze %dma_wait3A_440 : memref<1x8x2048xf32, #tpu.memory_space<vmem>> -> memref<8x2048xf32, #tpu.memory_space<vmem>>
          %dma_wait3A_442 = arith.constant 0 : i32
          %dma_wait3A_443 = tpu.memref_slice %arg3[%mul3A_435, %dma_wait3A_442] : memref<16384x2048xf32, #tpu.memory_space<hbm>> -> memref<8x2048xf32, #tpu.memory_space<hbm>>
          %dma_wait3A_444 = tpu.memref_slice %run_scoped3A_9[%rem3A_437] : memref<2x!tpu.dma_semaphore, #tpu.memory_space<semaphore_mem>> -> memref<1x!tpu.dma_semaphore, #tpu.memory_space<semaphore_mem>>
          %dma_wait3A_445 = tpu.memref_squeeze %dma_wait3A_444 : memref<1x!tpu.dma_semaphore, #tpu.memory_space<semaphore_mem>> -> memref<!tpu.dma_semaphore, #tpu.memory_space<semaphore_mem>>
          %dma_wait3A_446 = arith.constant 0 : i32
          %dma_wait3A_447 = arith.constant 0 : i32
          %dma_wait3A_448 = tpu.memref_slice %run_scoped3A_8[%rem3A_437, %dma_wait3A_446, %dma_wait3A_447] : memref<2x8x2048xf32, #tpu.memory_space<vmem>> -> memref<1x8x2048xf32, #tpu.memory_space<vmem>>
          %dma_wait3A_449 = tpu.memref_squeeze %dma_wait3A_448 : memref<1x8x2048xf32, #tpu.memory_space<vmem>> -> memref<8x2048xf32, #tpu.memory_space<vmem>>
          %dma_wait3A_450 = arith.constant 0 : i32
          %dma_wait3A_451 = tpu.memref_slice %arg3[%mul3A_435, %dma_wait3A_450] : memref<16384x2048xf32, #tpu.memory_space<hbm>> -> memref<8x2048xf32, #tpu.memory_space<hbm>>
          tpu.wait_dma2 semaphore(%dma_wait3A_445 : memref<!tpu.dma_semaphore, #tpu.memory_space<semaphore_mem>>) src(%dma_wait3A_451 : memref<8x2048xf32, #tpu.memory_space<hbm>>) dst(%dma_wait3A_449 : memref<8x2048xf32, #tpu.memory_space<vmem>>)
          "tpu.trace_stop"() : () -> ()
        } else {
        }
        %ne3A_266 = arith.cmpi ne, %add3A_165, %add3A_174 : i32
        %or3A_267 = arith.constant false
        %or3A_268 = arith.ori %or3A_267, %ne3A_266 : i1
        %or3A_269 = arith.constant false
        %or3A_270 = arith.ori %or3A_268, %or3A_269 : i1
        %or3A_271 = arith.ori %or3A_270, %eq3A_162 : i1
        %convert_element_type3A_272 = arith.extui %or3A_271 : i1 to i32
        %cond3A_273 = arith.constant 0 : i32
        %cond3A_274 = arith.cmpi ne, %convert_element_type3A_272, %cond3A_273 : i32
        scf.if %cond3A_274 {
        } else {
        }
        %rem3A_275 = arith.constant 2 : i32
        %rem3A_276 = arith.remui %scan3A_155, %rem3A_275 : i32
        %rem3A_277 = arith.constant 2 : i32
        %rem3A_278 = arith.remui %scan3A_157, %rem3A_277 : i32
        %rem3A_279 = arith.constant 2 : i32
        %rem3A_280 = arith.remui %scan3A_158, %rem3A_279 : i32
        %parallel_loop3A = arith.constant 0 : i32
        %parallel_loop3A_281 = arith.constant 2048 : i32
        %parallel_loop3A_282 = arith.constant 16 : i32
        "tpu.trace_start"() <{level = 10 : i32, message = "ep_run_kernel"}> : () -> ()
        scf.for %parallel_loop3A_432 = %parallel_loop3A to %parallel_loop3A_281 step %parallel_loop3A_282  : i32 {
          %parallel_loop3A_433 = arith.constant 0 : i32
          %parallel_loop3A_434 = arith.constant 0 : i32
          %parallel_loop3A_435 = arith.constant 0 : i32
          %parallel_loop3A_436 = tpu.memref_slice %run_scoped3A[%rem3A_276, %parallel_loop3A_434, %parallel_loop3A_435] : memref<2x8x2048xf32, #tpu.memory_space<vmem>> -> memref<1x8x2048xf32, #tpu.memory_space<vmem>>
          %parallel_loop3A_437 = tpu.memref_squeeze %parallel_loop3A_436 : memref<1x8x2048xf32, #tpu.memory_space<vmem>> -> memref<8x2048xf32, #tpu.memory_space<vmem>>
          %parallel_loop3A_438 = arith.index_cast %parallel_loop3A_433 : i32 to index
          %parallel_loop3A_439 = arith.index_cast %parallel_loop3A_432 : i32 to index
          %parallel_loop3A_440 = tpu.vector_load %parallel_loop3A_437[%parallel_loop3A_438, %parallel_loop3A_439] {strides = array<i32>} : memref<8x2048xf32, #tpu.memory_space<vmem>>, vector<16xf32>,
          %parallel_loop3A_441 = arith.constant 0 : i32
          %parallel_loop3A_442 = arith.constant 0 : i32
          %parallel_loop3A_443 = arith.constant 0 : i32
          %parallel_loop3A_444 = tpu.memref_slice %run_scoped3A_8[%rem3A_278, %parallel_loop3A_442, %parallel_loop3A_443] : memref<2x8x2048xf32, #tpu.memory_space<vmem>> -> memref<1x8x2048xf32, #tpu.memory_space<vmem>>
          %parallel_loop3A_445 = tpu.memref_squeeze %parallel_loop3A_444 : memref<1x8x2048xf32, #tpu.memory_space<vmem>> -> memref<8x2048xf32, #tpu.memory_space<vmem>>
          %parallel_loop3A_446 = arith.index_cast %parallel_loop3A_441 : i32 to index
          %parallel_loop3A_447 = arith.index_cast %parallel_loop3A_432 : i32 to index
          %parallel_loop3A_448 = tpu.vector_load %parallel_loop3A_445[%parallel_loop3A_446, %parallel_loop3A_447] {strides = array<i32>} : memref<8x2048xf32, #tpu.memory_space<vmem>>, vector<16xf32>,
          %parallel_loop3A_449 = arith.addf %parallel_loop3A_440, %parallel_loop3A_448 : vector<16xf32>
          %parallel_loop3A_450 = arith.constant 5.000000e-01 : f32
          %parallel_loop3A_451 = vector.broadcast %parallel_loop3A_450 : f32 to vector<16xf32>
          %parallel_loop3A_452 = arith.mulf %parallel_loop3A_449, %parallel_loop3A_451 : vector<16xf32>
          %parallel_loop3A_453 = arith.constant 0 : i32
          %parallel_loop3A_454 = arith.constant 0 : i32
          %parallel_loop3A_455 = arith.constant 0 : i32
          %parallel_loop3A_456 = tpu.memref_slice %run_scoped3A_10[%rem3A_280, %parallel_loop3A_454, %parallel_loop3A_455] : memref<2x8x2048xf32, #tpu.memory_space<vmem>> -> memref<1x8x2048xf32, #tpu.memory_space<vmem>>
          %parallel_loop3A_457 = tpu.memref_squeeze %parallel_loop3A_456 : memref<1x8x2048xf32, #tpu.memory_space<vmem>> -> memref<8x2048xf32, #tpu.memory_space<vmem>>
          %parallel_loop3A_458 = arith.index_cast %parallel_loop3A_453 : i32 to index
          %parallel_loop3A_459 = arith.index_cast %parallel_loop3A_432 : i32 to index
          %parallel_loop3A_460 = tpu.vector_load %parallel_loop3A_457[%parallel_loop3A_458, %parallel_loop3A_459] {strides = array<i32>} : memref<8x2048xf32, #tpu.memory_space<vmem>>, vector<16xf32>,
          tpu.vector_store %parallel_loop3A_457[%parallel_loop3A_458, %parallel_loop3A_459], %parallel_loop3A_452 {strides = array<i32>} : memref<8x2048xf32, #tpu.memory_space<vmem>>, vector<16xf32>,
        } {sc.loop_unroll_factor = 8 : i64, sc.parallel_access}
        %parallel_loop3A_283 = arith.constant 0 : i32
        %parallel_loop3A_284 = arith.constant 2048 : i32
        %parallel_loop3A_285 = arith.constant 16 : i32
        scf.for %parallel_loop3A_432 = %parallel_loop3A_283 to %parallel_loop3A_284 step %parallel_loop3A_285  : i32 {
          %parallel_loop3A_433 = arith.constant 1 : i32
          %parallel_loop3A_434 = arith.constant 0 : i32
          %parallel_loop3A_435 = arith.constant 0 : i32
          %parallel_loop3A_436 = tpu.memref_slice %run_scoped3A[%rem3A_276, %parallel_loop3A_434, %parallel_loop3A_435] : memref<2x8x2048xf32, #tpu.memory_space<vmem>> -> memref<1x8x2048xf32, #tpu.memory_space<vmem>>
          %parallel_loop3A_437 = tpu.memref_squeeze %parallel_loop3A_436 : memref<1x8x2048xf32, #tpu.memory_space<vmem>> -> memref<8x2048xf32, #tpu.memory_space<vmem>>
          %parallel_loop3A_438 = arith.index_cast %parallel_loop3A_433 : i32 to index
          %parallel_loop3A_439 = arith.index_cast %parallel_loop3A_432 : i32 to index
          %parallel_loop3A_440 = tpu.vector_load %parallel_loop3A_437[%parallel_loop3A_438, %parallel_loop3A_439] {strides = array<i32>} : memref<8x2048xf32, #tpu.memory_space<vmem>>, vector<16xf32>,
          %parallel_loop3A_441 = arith.constant 1 : i32
          %parallel_loop3A_442 = arith.constant 0 : i32
          %parallel_loop3A_443 = arith.constant 0 : i32
          %parallel_loop3A_444 = tpu.memref_slice %run_scoped3A_8[%rem3A_278, %parallel_loop3A_442, %parallel_loop3A_443] : memref<2x8x2048xf32, #tpu.memory_space<vmem>> -> memref<1x8x2048xf32, #tpu.memory_space<vmem>>
          %parallel_loop3A_445 = tpu.memref_squeeze %parallel_loop3A_444 : memref<1x8x2048xf32, #tpu.memory_space<vmem>> -> memref<8x2048xf32, #tpu.memory_space<vmem>>
          %parallel_loop3A_446 = arith.index_cast %parallel_loop3A_441 : i32 to index
          %parallel_loop3A_447 = arith.index_cast %parallel_loop3A_432 : i32 to index
          %parallel_loop3A_448 = tpu.vector_load %parallel_loop3A_445[%parallel_loop3A_446, %parallel_loop3A_447] {strides = array<i32>} : memref<8x2048xf32, #tpu.memory_space<vmem>>, vector<16xf32>,
          %parallel_loop3A_449 = arith.addf %parallel_loop3A_440, %parallel_loop3A_448 : vector<16xf32>
          %parallel_loop3A_450 = arith.constant 5.000000e-01 : f32
          %parallel_loop3A_451 = vector.broadcast %parallel_loop3A_450 : f32 to vector<16xf32>
          %parallel_loop3A_452 = arith.mulf %parallel_loop3A_449, %parallel_loop3A_451 : vector<16xf32>
          %parallel_loop3A_453 = arith.constant 1 : i32
          %parallel_loop3A_454 = arith.constant 0 : i32
          %parallel_loop3A_455 = arith.constant 0 : i32
          %parallel_loop3A_456 = tpu.memref_slice %run_scoped3A_10[%rem3A_280, %parallel_loop3A_454, %parallel_loop3A_455] : memref<2x8x2048xf32, #tpu.memory_space<vmem>> -> memref<1x8x2048xf32, #tpu.memory_space<vmem>>
          %parallel_loop3A_457 = tpu.memref_squeeze %parallel_loop3A_456 : memref<1x8x2048xf32, #tpu.memory_space<vmem>> -> memref<8x2048xf32, #tpu.memory_space<vmem>>
          %parallel_loop3A_458 = arith.index_cast %parallel_loop3A_453 : i32 to index
          %parallel_loop3A_459 = arith.index_cast %parallel_loop3A_432 : i32 to index
          %parallel_loop3A_460 = tpu.vector_load %parallel_loop3A_457[%parallel_loop3A_458, %parallel_loop3A_459] {strides = array<i32>} : memref<8x2048xf32, #tpu.memory_space<vmem>>, vector<16xf32>,
          tpu.vector_store %parallel_loop3A_457[%parallel_loop3A_458, %parallel_loop3A_459], %parallel_loop3A_452 {strides = array<i32>} : memref<8x2048xf32, #tpu.memory_space<vmem>>, vector<16xf32>,
        } {sc.loop_unroll_factor = 8 : i64, sc.parallel_access}
        %parallel_loop3A_286 = arith.constant 0 : i32
        %parallel_loop3A_287 = arith.constant 2048 : i32
        %parallel_loop3A_288 = arith.constant 16 : i32
        scf.for %parallel_loop3A_432 = %parallel_loop3A_286 to %parallel_loop3A_287 step %parallel_loop3A_288  : i32 {
          %parallel_loop3A_433 = arith.constant 2 : i32
          %parallel_loop3A_434 = arith.constant 0 : i32
          %parallel_loop3A_435 = arith.constant 0 : i32
          %parallel_loop3A_436 = tpu.memref_slice %run_scoped3A[%rem3A_276, %parallel_loop3A_434, %parallel_loop3A_435] : memref<2x8x2048xf32, #tpu.memory_space<vmem>> -> memref<1x8x2048xf32, #tpu.memory_space<vmem>>
          %parallel_loop3A_437 = tpu.memref_squeeze %parallel_loop3A_436 : memref<1x8x2048xf32, #tpu.memory_space<vmem>> -> memref<8x2048xf32, #tpu.memory_space<vmem>>
          %parallel_loop3A_438 = arith.index_cast %parallel_loop3A_433 : i32 to index
          %parallel_loop3A_439 = arith.index_cast %parallel_loop3A_432 : i32 to index
          %parallel_loop3A_440 = tpu.vector_load %parallel_loop3A_437[%parallel_loop3A_438, %parallel_loop3A_439] {strides = array<i32>} : memref<8x2048xf32, #tpu.memory_space<vmem>>, vector<16xf32>,
          %parallel_loop3A_441 = arith.constant 2 : i32
          %parallel_loop3A_442 = arith.constant 0 : i32
          %parallel_loop3A_443 = arith.constant 0 : i32
          %parallel_loop3A_444 = tpu.memref_slice %run_scoped3A_8[%rem3A_278, %parallel_loop3A_442, %parallel_loop3A_443] : memref<2x8x2048xf32, #tpu.memory_space<vmem>> -> memref<1x8x2048xf32, #tpu.memory_space<vmem>>
          %parallel_loop3A_445 = tpu.memref_squeeze %parallel_loop3A_444 : memref<1x8x2048xf32, #tpu.memory_space<vmem>> -> memref<8x2048xf32, #tpu.memory_space<vmem>>
          %parallel_loop3A_446 = arith.index_cast %parallel_loop3A_441 : i32 to index
          %parallel_loop3A_447 = arith.index_cast %parallel_loop3A_432 : i32 to index
          %parallel_loop3A_448 = tpu.vector_load %parallel_loop3A_445[%parallel_loop3A_446, %parallel_loop3A_447] {strides = array<i32>} : memref<8x2048xf32, #tpu.memory_space<vmem>>, vector<16xf32>,
          %parallel_loop3A_449 = arith.addf %parallel_loop3A_440, %parallel_loop3A_448 : vector<16xf32>
          %parallel_loop3A_450 = arith.constant 5.000000e-01 : f32
          %parallel_loop3A_451 = vector.broadcast %parallel_loop3A_450 : f32 to vector<16xf32>
          %parallel_loop3A_452 = arith.mulf %parallel_loop3A_449, %parallel_loop3A_451 : vector<16xf32>
          %parallel_loop3A_453 = arith.constant 2 : i32
          %parallel_loop3A_454 = arith.constant 0 : i32
          %parallel_loop3A_455 = arith.constant 0 : i32
          %parallel_loop3A_456 = tpu.memref_slice %run_scoped3A_10[%rem3A_280, %parallel_loop3A_454, %parallel_loop3A_455] : memref<2x8x2048xf32, #tpu.memory_space<vmem>> -> memref<1x8x2048xf32, #tpu.memory_space<vmem>>
          %parallel_loop3A_457 = tpu.memref_squeeze %parallel_loop3A_456 : memref<1x8x2048xf32, #tpu.memory_space<vmem>> -> memref<8x2048xf32, #tpu.memory_space<vmem>>
          %parallel_loop3A_458 = arith.index_cast %parallel_loop3A_453 : i32 to index
          %parallel_loop3A_459 = arith.index_cast %parallel_loop3A_432 : i32 to index
          %parallel_loop3A_460 = tpu.vector_load %parallel_loop3A_457[%parallel_loop3A_458, %parallel_loop3A_459] {strides = array<i32>} : memref<8x2048xf32, #tpu.memory_space<vmem>>, vector<16xf32>,
          tpu.vector_store %parallel_loop3A_457[%parallel_loop3A_458, %parallel_loop3A_459], %parallel_loop3A_452 {strides = array<i32>} : memref<8x2048xf32, #tpu.memory_space<vmem>>, vector<16xf32>,
        } {sc.loop_unroll_factor = 8 : i64, sc.parallel_access}
        %parallel_loop3A_289 = arith.constant 0 : i32
        %parallel_loop3A_290 = arith.constant 2048 : i32
        %parallel_loop3A_291 = arith.constant 16 : i32
        scf.for %parallel_loop3A_432 = %parallel_loop3A_289 to %parallel_loop3A_290 step %parallel_loop3A_291  : i32 {
          %parallel_loop3A_433 = arith.constant 3 : i32
          %parallel_loop3A_434 = arith.constant 0 : i32
          %parallel_loop3A_435 = arith.constant 0 : i32
          %parallel_loop3A_436 = tpu.memref_slice %run_scoped3A[%rem3A_276, %parallel_loop3A_434, %parallel_loop3A_435] : memref<2x8x2048xf32, #tpu.memory_space<vmem>> -> memref<1x8x2048xf32, #tpu.memory_space<vmem>>
          %parallel_loop3A_437 = tpu.memref_squeeze %parallel_loop3A_436 : memref<1x8x2048xf32, #tpu.memory_space<vmem>> -> memref<8x2048xf32, #tpu.memory_space<vmem>>
          %parallel_loop3A_438 = arith.index_cast %parallel_loop3A_433 : i32 to index
          %parallel_loop3A_439 = arith.index_cast %parallel_loop3A_432 : i32 to index
          %parallel_loop3A_440 = tpu.vector_load %parallel_loop3A_437[%parallel_loop3A_438, %parallel_loop3A_439] {strides = array<i32>} : memref<8x2048xf32, #tpu.memory_space<vmem>>, vector<16xf32>,
          %parallel_loop3A_441 = arith.constant 3 : i32
          %parallel_loop3A_442 = arith.constant 0 : i32
          %parallel_loop3A_443 = arith.constant 0 : i32
          %parallel_loop3A_444 = tpu.memref_slice %run_scoped3A_8[%rem3A_278, %parallel_loop3A_442, %parallel_loop3A_443] : memref<2x8x2048xf32, #tpu.memory_space<vmem>> -> memref<1x8x2048xf32, #tpu.memory_space<vmem>>
          %parallel_loop3A_445 = tpu.memref_squeeze %parallel_loop3A_444 : memref<1x8x2048xf32, #tpu.memory_space<vmem>> -> memref<8x2048xf32, #tpu.memory_space<vmem>>
          %parallel_loop3A_446 = arith.index_cast %parallel_loop3A_441 : i32 to index
          %parallel_loop3A_447 = arith.index_cast %parallel_loop3A_432 : i32 to index
          %parallel_loop3A_448 = tpu.vector_load %parallel_loop3A_445[%parallel_loop3A_446, %parallel_loop3A_447] {strides = array<i32>} : memref<8x2048xf32, #tpu.memory_space<vmem>>, vector<16xf32>,
          %parallel_loop3A_449 = arith.addf %parallel_loop3A_440, %parallel_loop3A_448 : vector<16xf32>
          %parallel_loop3A_450 = arith.constant 5.000000e-01 : f32
          %parallel_loop3A_451 = vector.broadcast %parallel_loop3A_450 : f32 to vector<16xf32>
          %parallel_loop3A_452 = arith.mulf %parallel_loop3A_449, %parallel_loop3A_451 : vector<16xf32>
          %parallel_loop3A_453 = arith.constant 3 : i32
          %parallel_loop3A_454 = arith.constant 0 : i32
          %parallel_loop3A_455 = arith.constant 0 : i32
          %parallel_loop3A_456 = tpu.memref_slice %run_scoped3A_10[%rem3A_280, %parallel_loop3A_454, %parallel_loop3A_455] : memref<2x8x2048xf32, #tpu.memory_space<vmem>> -> memref<1x8x2048xf32, #tpu.memory_space<vmem>>
          %parallel_loop3A_457 = tpu.memref_squeeze %parallel_loop3A_456 : memref<1x8x2048xf32, #tpu.memory_space<vmem>> -> memref<8x2048xf32, #tpu.memory_space<vmem>>
          %parallel_loop3A_458 = arith.index_cast %parallel_loop3A_453 : i32 to index
          %parallel_loop3A_459 = arith.index_cast %parallel_loop3A_432 : i32 to index
          %parallel_loop3A_460 = tpu.vector_load %parallel_loop3A_457[%parallel_loop3A_458, %parallel_loop3A_459] {strides = array<i32>} : memref<8x2048xf32, #tpu.memory_space<vmem>>, vector<16xf32>,
          tpu.vector_store %parallel_loop3A_457[%parallel_loop3A_458, %parallel_loop3A_459], %parallel_loop3A_452 {strides = array<i32>} : memref<8x2048xf32, #tpu.memory_space<vmem>>, vector<16xf32>,
        } {sc.loop_unroll_factor = 8 : i64, sc.parallel_access}
        %parallel_loop3A_292 = arith.constant 0 : i32
        %parallel_loop3A_293 = arith.constant 2048 : i32
        %parallel_loop3A_294 = arith.constant 16 : i32
        scf.for %parallel_loop3A_432 = %parallel_loop3A_292 to %parallel_loop3A_293 step %parallel_loop3A_294  : i32 {
          %parallel_loop3A_433 = arith.constant 4 : i32
          %parallel_loop3A_434 = arith.constant 0 : i32
          %parallel_loop3A_435 = arith.constant 0 : i32
          %parallel_loop3A_436 = tpu.memref_slice %run_scoped3A[%rem3A_276, %parallel_loop3A_434, %parallel_loop3A_435] : memref<2x8x2048xf32, #tpu.memory_space<vmem>> -> memref<1x8x2048xf32, #tpu.memory_space<vmem>>
          %parallel_loop3A_437 = tpu.memref_squeeze %parallel_loop3A_436 : memref<1x8x2048xf32, #tpu.memory_space<vmem>> -> memref<8x2048xf32, #tpu.memory_space<vmem>>
          %parallel_loop3A_438 = arith.index_cast %parallel_loop3A_433 : i32 to index
          %parallel_loop3A_439 = arith.index_cast %parallel_loop3A_432 : i32 to index
          %parallel_loop3A_440 = tpu.vector_load %parallel_loop3A_437[%parallel_loop3A_438, %parallel_loop3A_439] {strides = array<i32>} : memref<8x2048xf32, #tpu.memory_space<vmem>>, vector<16xf32>,
          %parallel_loop3A_441 = arith.constant 4 : i32
          %parallel_loop3A_442 = arith.constant 0 : i32
          %parallel_loop3A_443 = arith.constant 0 : i32
          %parallel_loop3A_444 = tpu.memref_slice %run_scoped3A_8[%rem3A_278, %parallel_loop3A_442, %parallel_loop3A_443] : memref<2x8x2048xf32, #tpu.memory_space<vmem>> -> memref<1x8x2048xf32, #tpu.memory_space<vmem>>
          %parallel_loop3A_445 = tpu.memref_squeeze %parallel_loop3A_444 : memref<1x8x2048xf32, #tpu.memory_space<vmem>> -> memref<8x2048xf32, #tpu.memory_space<vmem>>
          %parallel_loop3A_446 = arith.index_cast %parallel_loop3A_441 : i32 to index
          %parallel_loop3A_447 = arith.index_cast %parallel_loop3A_432 : i32 to index
          %parallel_loop3A_448 = tpu.vector_load %parallel_loop3A_445[%parallel_loop3A_446, %parallel_loop3A_447] {strides = array<i32>} : memref<8x2048xf32, #tpu.memory_space<vmem>>, vector<16xf32>,
          %parallel_loop3A_449 = arith.addf %parallel_loop3A_440, %parallel_loop3A_448 : vector<16xf32>
          %parallel_loop3A_450 = arith.constant 5.000000e-01 : f32
          %parallel_loop3A_451 = vector.broadcast %parallel_loop3A_450 : f32 to vector<16xf32>
          %parallel_loop3A_452 = arith.mulf %parallel_loop3A_449, %parallel_loop3A_451 : vector<16xf32>
          %parallel_loop3A_453 = arith.constant 4 : i32
          %parallel_loop3A_454 = arith.constant 0 : i32
          %parallel_loop3A_455 = arith.constant 0 : i32
          %parallel_loop3A_456 = tpu.memref_slice %run_scoped3A_10[%rem3A_280, %parallel_loop3A_454, %parallel_loop3A_455] : memref<2x8x2048xf32, #tpu.memory_space<vmem>> -> memref<1x8x2048xf32, #tpu.memory_space<vmem>>
          %parallel_loop3A_457 = tpu.memref_squeeze %parallel_loop3A_456 : memref<1x8x2048xf32, #tpu.memory_space<vmem>> -> memref<8x2048xf32, #tpu.memory_space<vmem>>
          %parallel_loop3A_458 = arith.index_cast %parallel_loop3A_453 : i32 to index
          %parallel_loop3A_459 = arith.index_cast %parallel_loop3A_432 : i32 to index
          %parallel_loop3A_460 = tpu.vector_load %parallel_loop3A_457[%parallel_loop3A_458, %parallel_loop3A_459] {strides = array<i32>} : memref<8x2048xf32, #tpu.memory_space<vmem>>, vector<16xf32>,
          tpu.vector_store %parallel_loop3A_457[%parallel_loop3A_458, %parallel_loop3A_459], %parallel_loop3A_452 {strides = array<i32>} : memref<8x2048xf32, #tpu.memory_space<vmem>>, vector<16xf32>,
        } {sc.loop_unroll_factor = 8 : i64, sc.parallel_access}
        %parallel_loop3A_295 = arith.constant 0 : i32
        %parallel_loop3A_296 = arith.constant 2048 : i32
        %parallel_loop3A_297 = arith.constant 16 : i32
        scf.for %parallel_loop3A_432 = %parallel_loop3A_295 to %parallel_loop3A_296 step %parallel_loop3A_297  : i32 {
          %parallel_loop3A_433 = arith.constant 5 : i32
          %parallel_loop3A_434 = arith.constant 0 : i32
          %parallel_loop3A_435 = arith.constant 0 : i32
          %parallel_loop3A_436 = tpu.memref_slice %run_scoped3A[%rem3A_276, %parallel_loop3A_434, %parallel_loop3A_435] : memref<2x8x2048xf32, #tpu.memory_space<vmem>> -> memref<1x8x2048xf32, #tpu.memory_space<vmem>>
          %parallel_loop3A_437 = tpu.memref_squeeze %parallel_loop3A_436 : memref<1x8x2048xf32, #tpu.memory_space<vmem>> -> memref<8x2048xf32, #tpu.memory_space<vmem>>
          %parallel_loop3A_438 = arith.index_cast %parallel_loop3A_433 : i32 to index
          %parallel_loop3A_439 = arith.index_cast %parallel_loop3A_432 : i32 to index
          %parallel_loop3A_440 = tpu.vector_load %parallel_loop3A_437[%parallel_loop3A_438, %parallel_loop3A_439] {strides = array<i32>} : memref<8x2048xf32, #tpu.memory_space<vmem>>, vector<16xf32>,
          %parallel_loop3A_441 = arith.constant 5 : i32
          %parallel_loop3A_442 = arith.constant 0 : i32
          %parallel_loop3A_443 = arith.constant 0 : i32
          %parallel_loop3A_444 = tpu.memref_slice %run_scoped3A_8[%rem3A_278, %parallel_loop3A_442, %parallel_loop3A_443] : memref<2x8x2048xf32, #tpu.memory_space<vmem>> -> memref<1x8x2048xf32, #tpu.memory_space<vmem>>
          %parallel_loop3A_445 = tpu.memref_squeeze %parallel_loop3A_444 : memref<1x8x2048xf32, #tpu.memory_space<vmem>> -> memref<8x2048xf32, #tpu.memory_space<vmem>>
          %parallel_loop3A_446 = arith.index_cast %parallel_loop3A_441 : i32 to index
          %parallel_loop3A_447 = arith.index_cast %parallel_loop3A_432 : i32 to index
          %parallel_loop3A_448 = tpu.vector_load %parallel_loop3A_445[%parallel_loop3A_446, %parallel_loop3A_447] {strides = array<i32>} : memref<8x2048xf32, #tpu.memory_space<vmem>>, vector<16xf32>,
          %parallel_loop3A_449 = arith.addf %parallel_loop3A_440, %parallel_loop3A_448 : vector<16xf32>
          %parallel_loop3A_450 = arith.constant 5.000000e-01 : f32
          %parallel_loop3A_451 = vector.broadcast %parallel_loop3A_450 : f32 to vector<16xf32>
          %parallel_loop3A_452 = arith.mulf %parallel_loop3A_449, %parallel_loop3A_451 : vector<16xf32>
          %parallel_loop3A_453 = arith.constant 5 : i32
          %parallel_loop3A_454 = arith.constant 0 : i32
          %parallel_loop3A_455 = arith.constant 0 : i32
          %parallel_loop3A_456 = tpu.memref_slice %run_scoped3A_10[%rem3A_280, %parallel_loop3A_454, %parallel_loop3A_455] : memref<2x8x2048xf32, #tpu.memory_space<vmem>> -> memref<1x8x2048xf32, #tpu.memory_space<vmem>>
          %parallel_loop3A_457 = tpu.memref_squeeze %parallel_loop3A_456 : memref<1x8x2048xf32, #tpu.memory_space<vmem>> -> memref<8x2048xf32, #tpu.memory_space<vmem>>
          %parallel_loop3A_458 = arith.index_cast %parallel_loop3A_453 : i32 to index
          %parallel_loop3A_459 = arith.index_cast %parallel_loop3A_432 : i32 to index
          %parallel_loop3A_460 = tpu.vector_load %parallel_loop3A_457[%parallel_loop3A_458, %parallel_loop3A_459] {strides = array<i32>} : memref<8x2048xf32, #tpu.memory_space<vmem>>, vector<16xf32>,
          tpu.vector_store %parallel_loop3A_457[%parallel_loop3A_458, %parallel_loop3A_459], %parallel_loop3A_452 {strides = array<i32>} : memref<8x2048xf32, #tpu.memory_space<vmem>>, vector<16xf32>,
        } {sc.loop_unroll_factor = 8 : i64, sc.parallel_access}
        %parallel_loop3A_298 = arith.constant 0 : i32
        %parallel_loop3A_299 = arith.constant 2048 : i32
        %parallel_loop3A_300 = arith.constant 16 : i32
        scf.for %parallel_loop3A_432 = %parallel_loop3A_298 to %parallel_loop3A_299 step %parallel_loop3A_300  : i32 {
          %parallel_loop3A_433 = arith.constant 6 : i32
          %parallel_loop3A_434 = arith.constant 0 : i32
          %parallel_loop3A_435 = arith.constant 0 : i32
          %parallel_loop3A_436 = tpu.memref_slice %run_scoped3A[%rem3A_276, %parallel_loop3A_434, %parallel_loop3A_435] : memref<2x8x2048xf32, #tpu.memory_space<vmem>> -> memref<1x8x2048xf32, #tpu.memory_space<vmem>>
          %parallel_loop3A_437 = tpu.memref_squeeze %parallel_loop3A_436 : memref<1x8x2048xf32, #tpu.memory_space<vmem>> -> memref<8x2048xf32, #tpu.memory_space<vmem>>
          %parallel_loop3A_438 = arith.index_cast %parallel_loop3A_433 : i32 to index
          %parallel_loop3A_439 = arith.index_cast %parallel_loop3A_432 : i32 to index
          %parallel_loop3A_440 = tpu.vector_load %parallel_loop3A_437[%parallel_loop3A_438, %parallel_loop3A_439] {strides = array<i32>} : memref<8x2048xf32, #tpu.memory_space<vmem>>, vector<16xf32>,
          %parallel_loop3A_441 = arith.constant 6 : i32
          %parallel_loop3A_442 = arith.constant 0 : i32
          %parallel_loop3A_443 = arith.constant 0 : i32
          %parallel_loop3A_444 = tpu.memref_slice %run_scoped3A_8[%rem3A_278, %parallel_loop3A_442, %parallel_loop3A_443] : memref<2x8x2048xf32, #tpu.memory_space<vmem>> -> memref<1x8x2048xf32, #tpu.memory_space<vmem>>
          %parallel_loop3A_445 = tpu.memref_squeeze %parallel_loop3A_444 : memref<1x8x2048xf32, #tpu.memory_space<vmem>> -> memref<8x2048xf32, #tpu.memory_space<vmem>>
          %parallel_loop3A_446 = arith.index_cast %parallel_loop3A_441 : i32 to index
          %parallel_loop3A_447 = arith.index_cast %parallel_loop3A_432 : i32 to index
          %parallel_loop3A_448 = tpu.vector_load %parallel_loop3A_445[%parallel_loop3A_446, %parallel_loop3A_447] {strides = array<i32>} : memref<8x2048xf32, #tpu.memory_space<vmem>>, vector<16xf32>,
          %parallel_loop3A_449 = arith.addf %parallel_loop3A_440, %parallel_loop3A_448 : vector<16xf32>
          %parallel_loop3A_450 = arith.constant 5.000000e-01 : f32
          %parallel_loop3A_451 = vector.broadcast %parallel_loop3A_450 : f32 to vector<16xf32>
          %parallel_loop3A_452 = arith.mulf %parallel_loop3A_449, %parallel_loop3A_451 : vector<16xf32>
          %parallel_loop3A_453 = arith.constant 6 : i32
          %parallel_loop3A_454 = arith.constant 0 : i32
          %parallel_loop3A_455 = arith.constant 0 : i32
          %parallel_loop3A_456 = tpu.memref_slice %run_scoped3A_10[%rem3A_280, %parallel_loop3A_454, %parallel_loop3A_455] : memref<2x8x2048xf32, #tpu.memory_space<vmem>> -> memref<1x8x2048xf32, #tpu.memory_space<vmem>>
          %parallel_loop3A_457 = tpu.memref_squeeze %parallel_loop3A_456 : memref<1x8x2048xf32, #tpu.memory_space<vmem>> -> memref<8x2048xf32, #tpu.memory_space<vmem>>
          %parallel_loop3A_458 = arith.index_cast %parallel_loop3A_453 : i32 to index
          %parallel_loop3A_459 = arith.index_cast %parallel_loop3A_432 : i32 to index
          %parallel_loop3A_460 = tpu.vector_load %parallel_loop3A_457[%parallel_loop3A_458, %parallel_loop3A_459] {strides = array<i32>} : memref<8x2048xf32, #tpu.memory_space<vmem>>, vector<16xf32>,
          tpu.vector_store %parallel_loop3A_457[%parallel_loop3A_458, %parallel_loop3A_459], %parallel_loop3A_452 {strides = array<i32>} : memref<8x2048xf32, #tpu.memory_space<vmem>>, vector<16xf32>,
        } {sc.loop_unroll_factor = 8 : i64, sc.parallel_access}
        %parallel_loop3A_301 = arith.constant 0 : i32
        %parallel_loop3A_302 = arith.constant 2048 : i32
        %parallel_loop3A_303 = arith.constant 16 : i32
        scf.for %parallel_loop3A_432 = %parallel_loop3A_301 to %parallel_loop3A_302 step %parallel_loop3A_303  : i32 {
          %parallel_loop3A_433 = arith.constant 7 : i32
          %parallel_loop3A_434 = arith.constant 0 : i32
          %parallel_loop3A_435 = arith.constant 0 : i32
          %parallel_loop3A_436 = tpu.memref_slice %run_scoped3A[%rem3A_276, %parallel_loop3A_434, %parallel_loop3A_435] : memref<2x8x2048xf32, #tpu.memory_space<vmem>> -> memref<1x8x2048xf32, #tpu.memory_space<vmem>>
          %parallel_loop3A_437 = tpu.memref_squeeze %parallel_loop3A_436 : memref<1x8x2048xf32, #tpu.memory_space<vmem>> -> memref<8x2048xf32, #tpu.memory_space<vmem>>
          %parallel_loop3A_438 = arith.index_cast %parallel_loop3A_433 : i32 to index
          %parallel_loop3A_439 = arith.index_cast %parallel_loop3A_432 : i32 to index
          %parallel_loop3A_440 = tpu.vector_load %parallel_loop3A_437[%parallel_loop3A_438, %parallel_loop3A_439] {strides = array<i32>} : memref<8x2048xf32, #tpu.memory_space<vmem>>, vector<16xf32>,
          %parallel_loop3A_441 = arith.constant 7 : i32
          %parallel_loop3A_442 = arith.constant 0 : i32
          %parallel_loop3A_443 = arith.constant 0 : i32
          %parallel_loop3A_444 = tpu.memref_slice %run_scoped3A_8[%rem3A_278, %parallel_loop3A_442, %parallel_loop3A_443] : memref<2x8x2048xf32, #tpu.memory_space<vmem>> -> memref<1x8x2048xf32, #tpu.memory_space<vmem>>
          %parallel_loop3A_445 = tpu.memref_squeeze %parallel_loop3A_444 : memref<1x8x2048xf32, #tpu.memory_space<vmem>> -> memref<8x2048xf32, #tpu.memory_space<vmem>>
          %parallel_loop3A_446 = arith.index_cast %parallel_loop3A_441 : i32 to index
          %parallel_loop3A_447 = arith.index_cast %parallel_loop3A_432 : i32 to index
          %parallel_loop3A_448 = tpu.vector_load %parallel_loop3A_445[%parallel_loop3A_446, %parallel_loop3A_447] {strides = array<i32>} : memref<8x2048xf32, #tpu.memory_space<vmem>>, vector<16xf32>,
          %parallel_loop3A_449 = arith.addf %parallel_loop3A_440, %parallel_loop3A_448 : vector<16xf32>
          %parallel_loop3A_450 = arith.constant 5.000000e-01 : f32
          %parallel_loop3A_451 = vector.broadcast %parallel_loop3A_450 : f32 to vector<16xf32>
          %parallel_loop3A_452 = arith.mulf %parallel_loop3A_449, %parallel_loop3A_451 : vector<16xf32>
          %parallel_loop3A_453 = arith.constant 7 : i32
          %parallel_loop3A_454 = arith.constant 0 : i32
          %parallel_loop3A_455 = arith.constant 0 : i32
          %parallel_loop3A_456 = tpu.memref_slice %run_scoped3A_10[%rem3A_280, %parallel_loop3A_454, %parallel_loop3A_455] : memref<2x8x2048xf32, #tpu.memory_space<vmem>> -> memref<1x8x2048xf32, #tpu.memory_space<vmem>>
          %parallel_loop3A_457 = tpu.memref_squeeze %parallel_loop3A_456 : memref<1x8x2048xf32, #tpu.memory_space<vmem>> -> memref<8x2048xf32, #tpu.memory_space<vmem>>
          %parallel_loop3A_458 = arith.index_cast %parallel_loop3A_453 : i32 to index
          %parallel_loop3A_459 = arith.index_cast %parallel_loop3A_432 : i32 to index
          %parallel_loop3A_460 = tpu.vector_load %parallel_loop3A_457[%parallel_loop3A_458, %parallel_loop3A_459] {strides = array<i32>} : memref<8x2048xf32, #tpu.memory_space<vmem>>, vector<16xf32>,
          tpu.vector_store %parallel_loop3A_457[%parallel_loop3A_458, %parallel_loop3A_459], %parallel_loop3A_452 {strides = array<i32>} : memref<8x2048xf32, #tpu.memory_space<vmem>>, vector<16xf32>,
        } {sc.loop_unroll_factor = 8 : i64, sc.parallel_access}
        "tpu.trace_stop"() : () -> ()
        %add3A_304 = arith.constant 768 : i32
        %add3A_305 = arith.addi %add3A_165, %add3A_304 : i32
        %add3A_306 = arith.constant 768 : i32
        %add3A_307 = arith.addi %add3A_183, %add3A_306 : i32
        %ne3A_308 = arith.cmpi ne, %add3A_305, %add3A_307 : i32
        %or3A_309 = arith.constant false
        %or3A_310 = arith.ori %or3A_309, %ne3A_308 : i1
        %or3A_311 = arith.constant false
        %or3A_312 = arith.ori %or3A_310, %or3A_311 : i1
        %or3A_313 = arith.ori %or3A_312, %eq3A_164 : i1
        %convert_element_type3A_314 = arith.extui %or3A_313 : i1 to i32
        %cond3A_315 = arith.constant 0 : i32
        %cond3A_316 = arith.cmpi ne, %convert_element_type3A_314, %cond3A_315 : i32
        scf.if %cond3A_316 {
        } else {
        }
        %and3A_317 = arith.constant false
        %and3A_318 = arith.andi %or3A_313, %and3A_317 : i1
        %add3A_319 = arith.constant 1792 : i32
        %add3A_320 = arith.addi %add3A_165, %add3A_319 : i32
        %add3A_321 = arith.constant 1792 : i32
        %add3A_322 = arith.addi %add3A_183, %add3A_321 : i32
        %ne3A_323 = arith.cmpi ne, %add3A_320, %add3A_322 : i32
        %or3A_324 = arith.constant false
        %or3A_325 = arith.ori %or3A_324, %ne3A_323 : i1
        %or3A_326 = arith.constant false
        %or3A_327 = arith.ori %or3A_325, %or3A_326 : i1
        %or3A_328 = arith.ori %or3A_327, %eq3A_164 : i1
        %convert_element_type3A_329 = arith.extui %or3A_328 : i1 to i32
        %cond3A_330 = arith.constant 0 : i32
        %cond3A_331 = arith.cmpi ne, %convert_element_type3A_329, %cond3A_330 : i32
        scf.if %cond3A_331 {
        } else {
        }
        %and3A_332 = arith.constant false
        %and3A_333 = arith.andi %or3A_328, %and3A_332 : i1
        %ne3A_334 = arith.cmpi ne, %add3A_165, %add3A_183 : i32
        %or3A_335 = arith.constant false
        %or3A_336 = arith.ori %or3A_335, %ne3A_334 : i1
        %or3A_337 = arith.constant false
        %or3A_338 = arith.ori %or3A_336, %or3A_337 : i1
        %or3A_339 = arith.ori %or3A_338, %eq3A_164 : i1
        %convert_element_type3A_340 = arith.extui %or3A_339 : i1 to i32
        %cond3A_341 = arith.constant 0 : i32
        %cond3A_342 = arith.cmpi ne, %convert_element_type3A_340, %cond3A_341 : i32
        scf.if %cond3A_342 {
          "tpu.trace_start"() <{level = 10 : i32, message = "ep_copy_out"}> : () -> ()
          %rem3A_432 = arith.constant 2 : i32
          %rem3A_433 = arith.remui %scan3A_158, %rem3A_432 : i32
          %mul3A_434 = arith.constant 8 : i32
          %mul3A_435 = arith.muli %mul3A_434, %add3A_165 : i32
          %dma_start3A_436 = arith.constant 0 : i32
          %dma_start3A_437 = arith.constant 0 : i32
          %dma_start3A_438 = tpu.memref_slice %run_scoped3A_10[%rem3A_433, %dma_start3A_436, %dma_start3A_437] : memref<2x8x2048xf32, #tpu.memory_space<vmem>> -> memref<1x8x2048xf32, #tpu.memory_space<vmem>>
          %dma_start3A_439 = tpu.memref_squeeze %dma_start3A_438 : memref<1x8x2048xf32, #tpu.memory_space<vmem>> -> memref<8x2048xf32, #tpu.memory_space<vmem>>
          %dma_start3A_440 = arith.constant 0 : i32
          %dma_start3A_441 = tpu.memref_slice %arg4[%mul3A_435, %dma_start3A_440] : memref<2048x2048xf32, #tpu.memory_space<hbm>> -> memref<8x2048xf32, #tpu.memory_space<hbm>>
          %dma_start3A_442 = tpu.memref_slice %run_scoped3A_11[%rem3A_433] : memref<2x!tpu.dma_semaphore, #tpu.memory_space<semaphore_mem>> -> memref<1x!tpu.dma_semaphore, #tpu.memory_space<semaphore_mem>>
          %dma_start3A_443 = tpu.memref_squeeze %dma_start3A_442 : memref<1x!tpu.dma_semaphore, #tpu.memory_space<semaphore_mem>> -> memref<!tpu.dma_semaphore, #tpu.memory_space<semaphore_mem>>
          %dma_start3A_444 = arith.constant 0 : i32
          %dma_start3A_445 = tpu.memref_slice %arg4[%mul3A_435, %dma_start3A_444] : memref<2048x2048xf32, #tpu.memory_space<hbm>> -> memref<8x2048xf32, #tpu.memory_space<hbm>>
          %dma_start3A_446 = arith.constant 0 : i32
          %dma_start3A_447 = arith.constant 0 : i32
          %dma_start3A_448 = tpu.memref_slice %run_scoped3A_10[%rem3A_433, %dma_start3A_446, %dma_start3A_447] : memref<2x8x2048xf32, #tpu.memory_space<vmem>> -> memref<1x8x2048xf32, #tpu.memory_space<vmem>>
          %dma_start3A_449 = tpu.memref_squeeze %dma_start3A_448 : memref<1x8x2048xf32, #tpu.memory_space<vmem>> -> memref<8x2048xf32, #tpu.memory_space<vmem>>
          tpu.enqueue_dma source(%dma_start3A_449 : memref<8x2048xf32, #tpu.memory_space<vmem>>) target(%dma_start3A_445 : memref<8x2048xf32, #tpu.memory_space<hbm>>) target_semaphore(%dma_start3A_443 : memref<!tpu.dma_semaphore, #tpu.memory_space<semaphore_mem>>)
          "tpu.trace_stop"() : () -> ()
        } else {
        }
        %and3A_343 = arith.constant true
        %and3A_344 = arith.andi %or3A_339, %and3A_343 : i1
        %add3A_345 = arith.constant 1 : i32
        %add3A_346 = arith.addi %scan3A_158, %add3A_345 : i32
        %select_n3A_347 = arith.select %and3A_344, %add3A_346, %scan3A_158 : i32
        %add3A_348 = arith.constant 768 : i32
        %add3A_349 = arith.addi %add3A_165, %add3A_348 : i32
        %add3A_350 = arith.constant 768 : i32
        %add3A_351 = arith.addi %add3A_174, %add3A_350 : i32
        %ne3A_352 = arith.cmpi ne, %add3A_349, %add3A_351 : i32
        %or3A_353 = arith.constant false
        %or3A_354 = arith.ori %or3A_353, %ne3A_352 : i1
        %or3A_355 = arith.constant false
        %or3A_356 = arith.ori %or3A_354, %or3A_355 : i1
        %not3A_357 = arith.constant true
        %not3A_358 = arith.xori %eq3A_162, %not3A_357 : i1
        %and3A_359 = arith.andi %or3A_356, %not3A_358 : i1
        %convert_element_type3A_360 = arith.extui %and3A_359 : i1 to i32
        %cond3A_361 = arith.constant 0 : i32
        %cond3A_362 = arith.cmpi ne, %convert_element_type3A_360, %cond3A_361 : i32
        scf.if %cond3A_362 {
        } else {
        }
        %and3A_363 = arith.constant false
        %and3A_364 = arith.andi %and3A_359, %and3A_363 : i1
        %add3A_365 = arith.constant 1792 : i32
        %add3A_366 = arith.addi %add3A_165, %add3A_365 : i32
        %add3A_367 = arith.constant 1792 : i32
        %add3A_368 = arith.addi %add3A_174, %add3A_367 : i32
        %ne3A_369 = arith.cmpi ne, %add3A_366, %add3A_368 : i32
        %or3A_370 = arith.constant false
        %or3A_371 = arith.ori %or3A_370, %ne3A_369 : i1
        %or3A_372 = arith.constant false
        %or3A_373 = arith.ori %or3A_371, %or3A_372 : i1
        %not3A_374 = arith.constant true
        %not3A_375 = arith.xori %eq3A_162, %not3A_374 : i1
        %and3A_376 = arith.andi %or3A_373, %not3A_375 : i1
        %convert_element_type3A_377 = arith.extui %and3A_376 : i1 to i32
        %cond3A_378 = arith.constant 0 : i32
        %cond3A_379 = arith.cmpi ne, %convert_element_type3A_377, %cond3A_378 : i32
        scf.if %cond3A_379 {
        } else {
        }
        %and3A_380 = arith.constant false
        %and3A_381 = arith.andi %and3A_376, %and3A_380 : i1
        %ne3A_382 = arith.cmpi ne, %add3A_165, %add3A_174 : i32
        %or3A_383 = arith.constant false
        %or3A_384 = arith.ori %or3A_383, %ne3A_382 : i1
        %or3A_385 = arith.constant false
        %or3A_386 = arith.ori %or3A_384, %or3A_385 : i1
        %not3A_387 = arith.constant true
        %not3A_388 = arith.xori %eq3A_162, %not3A_387 : i1
        %and3A_389 = arith.andi %or3A_386, %not3A_388 : i1
        %convert_element_type3A_390 = arith.extui %and3A_389 : i1 to i32
        %cond3A_391 = arith.constant 0 : i32
        %cond3A_392 = arith.cmpi ne, %convert_element_type3A_390, %cond3A_391 : i32
        scf.if %cond3A_392 {
          "tpu.trace_start"() <{level = 10 : i32, message = "ep_wait_out"}> : () -> ()
          %rem3A_432 = arith.constant 2 : i32
          %rem3A_433 = arith.remui %scan3A_159, %rem3A_432 : i32
          %mul3A_434 = arith.constant 8 : i32
          %mul3A_435 = arith.muli %mul3A_434, %add3A_174 : i32
          %dma_wait3A_436 = arith.constant 0 : i32
          %dma_wait3A_437 = arith.constant 0 : i32
          %dma_wait3A_438 = tpu.memref_slice %run_scoped3A_10[%rem3A_433, %dma_wait3A_436, %dma_wait3A_437] : memref<2x8x2048xf32, #tpu.memory_space<vmem>> -> memref<1x8x2048xf32, #tpu.memory_space<vmem>>
          %dma_wait3A_439 = tpu.memref_squeeze %dma_wait3A_438 : memref<1x8x2048xf32, #tpu.memory_space<vmem>> -> memref<8x2048xf32, #tpu.memory_space<vmem>>
          %dma_wait3A_440 = arith.constant 0 : i32
          %dma_wait3A_441 = tpu.memref_slice %arg4[%mul3A_435, %dma_wait3A_440] : memref<2048x2048xf32, #tpu.memory_space<hbm>> -> memref<8x2048xf32, #tpu.memory_space<hbm>>
          %dma_wait3A_442 = tpu.memref_slice %run_scoped3A_11[%rem3A_433] : memref<2x!tpu.dma_semaphore, #tpu.memory_space<semaphore_mem>> -> memref<1x!tpu.dma_semaphore, #tpu.memory_space<semaphore_mem>>
          %dma_wait3A_443 = tpu.memref_squeeze %dma_wait3A_442 : memref<1x!tpu.dma_semaphore, #tpu.memory_space<semaphore_mem>> -> memref<!tpu.dma_semaphore, #tpu.memory_space<semaphore_mem>>
          %dma_wait3A_444 = arith.constant 0 : i32
          %dma_wait3A_445 = tpu.memref_slice %arg4[%mul3A_435, %dma_wait3A_444] : memref<2048x2048xf32, #tpu.memory_space<hbm>> -> memref<8x2048xf32, #tpu.memory_space<hbm>>
          %dma_wait3A_446 = arith.constant 0 : i32
          %dma_wait3A_447 = arith.constant 0 : i32
          %dma_wait3A_448 = tpu.memref_slice %run_scoped3A_10[%rem3A_433, %dma_wait3A_446, %dma_wait3A_447] : memref<2x8x2048xf32, #tpu.memory_space<vmem>> -> memref<1x8x2048xf32, #tpu.memory_space<vmem>>
          %dma_wait3A_449 = tpu.memref_squeeze %dma_wait3A_448 : memref<1x8x2048xf32, #tpu.memory_space<vmem>> -> memref<8x2048xf32, #tpu.memory_space<vmem>>
          tpu.wait_dma2 semaphore(%dma_wait3A_443 : memref<!tpu.dma_semaphore, #tpu.memory_space<semaphore_mem>>) src(%dma_wait3A_449 : memref<8x2048xf32, #tpu.memory_space<vmem>>) dst(%dma_wait3A_445 : memref<8x2048xf32, #tpu.memory_space<hbm>>)
          "tpu.trace_stop"() : () -> ()
        } else {
        }
        %and3A_393 = arith.constant true
        %and3A_394 = arith.andi %and3A_389, %and3A_393 : i1
        %add3A_395 = arith.constant 1 : i32
        %add3A_396 = arith.addi %scan3A_159, %add3A_395 : i32
        %select_n3A_397 = arith.select %and3A_394, %add3A_396, %scan3A_159 : i32
        %add3A_398 = arith.constant 768 : i32
        %add3A_399 = arith.addi %add3A_165, %add3A_398 : i32
        %add3A_400 = arith.constant 768 : i32
        %add3A_401 = arith.addi %add3A_183, %add3A_400 : i32
        %ne3A_402 = arith.cmpi ne, %add3A_399, %add3A_401 : i32
        %or3A_403 = arith.constant false
        %or3A_404 = arith.ori %or3A_403, %ne3A_402 : i1
        %or3A_405 = arith.constant false
        %or3A_406 = arith.ori %or3A_404, %or3A_405 : i1
        %or3A_407 = arith.ori %or3A_406, %eq3A_164 : i1
        %add3A_408 = arith.constant 1 : i32
        %add3A_409 = arith.addi %scan3A_155, %add3A_408 : i32
        %select_n3A_410 = arith.select %or3A_407, %add3A_409, %scan3A_155 : i32
        %add3A_411 = arith.constant 1792 : i32
        %add3A_412 = arith.addi %add3A_165, %add3A_411 : i32
        %add3A_413 = arith.constant 1792 : i32
        %add3A_414 = arith.addi %add3A_183, %add3A_413 : i32
        %ne3A_415 = arith.cmpi ne, %add3A_412, %add3A_414 : i32
        %or3A_416 = arith.constant false
        %or3A_417 = arith.ori %or3A_416, %ne3A_415 : i1
        %or3A_418 = arith.constant false
        %or3A_419 = arith.ori %or3A_417, %or3A_418 : i1
        %or3A_420 = arith.ori %or3A_419, %eq3A_164 : i1
        %add3A_421 = arith.constant 1 : i32
        %add3A_422 = arith.addi %scan3A_157, %add3A_421 : i32
        %select_n3A_423 = arith.select %or3A_420, %add3A_422, %scan3A_157 : i32
        %add3A_424 = arith.constant 1 : i32
        %add3A_425 = arith.addi %scan3A_160, %add3A_424 : i32
        %select_n3A_426 = arith.constant true
        %select_n3A_427 = arith.select %select_n3A_426, %add3A_425, %scan3A_160 : i32
        %eq3A_428 = arith.constant 8 : i32
        %eq3A_429 = arith.cmpi eq, %select_n3A_427, %eq3A_428 : i32
        %select_n3A_430 = arith.constant 0 : i32
        %select_n3A_431 = arith.select %eq3A_429, %select_n3A_430, %select_n3A_427 : i32
        scf.yield %select_n3A_207, %select_n3A_410, %select_n3A_229, %select_n3A_423, %select_n3A_347, %select_n3A_397, %select_n3A_431 : i32, i32, i32, i32, i32, i32, i32
      }
      %scan3A_100 = arith.constant 8 : i32
      %sub3A = arith.constant 1 : i32
      %sub3A_101 = arith.subi %scan3A_99#6, %sub3A : i32
      %select_n3A_102 = arith.constant true
      %select_n3A_103 = arith.select %select_n3A_102, %sub3A_101, %scan3A_99#6 : i32
      %eq3A_104 = arith.constant -1 : i32
      %eq3A_105 = arith.cmpi eq, %select_n3A_103, %eq3A_104 : i32
      %select_n3A_106 = arith.constant 7 : i32
      %select_n3A_107 = arith.select %eq3A_105, %select_n3A_106, %select_n3A_103 : i32
      %add3A_108 = arith.addi %select_n3A_107, %mul3A_6 : i32
      %sub3A_109 = arith.constant 1 : i32
      %sub3A_110 = arith.subi %select_n3A_107, %sub3A_109 : i32
      %select_n3A_111 = arith.constant true
      %select_n3A_112 = arith.select %select_n3A_111, %sub3A_110, %select_n3A_107 : i32
      %eq3A_113 = arith.constant -1 : i32
      %eq3A_114 = arith.cmpi eq, %select_n3A_112, %eq3A_113 : i32
      %select_n3A_115 = arith.constant 7 : i32
      %select_n3A_116 = arith.select %eq3A_114, %select_n3A_115, %select_n3A_112 : i32
      %add3A_117 = arith.addi %select_n3A_116, %mul3A_6 : i32
      %add3A_118 = arith.constant 1 : i32
      %add3A_119 = arith.addi %select_n3A_107, %add3A_118 : i32
      %select_n3A_120 = arith.constant true
      %select_n3A_121 = arith.select %select_n3A_120, %add3A_119, %select_n3A_107 : i32
      %eq3A_122 = arith.constant 8 : i32
      %eq3A_123 = arith.cmpi eq, %select_n3A_121, %eq3A_122 : i32
      %select_n3A_124 = arith.constant 0 : i32
      %select_n3A_125 = arith.select %eq3A_123, %select_n3A_124, %select_n3A_121 : i32
      %add3A_126 = arith.addi %select_n3A_125, %mul3A_6 : i32
      %add3A_127 = arith.constant 1 : i32
      %add3A_128 = arith.addi %select_n3A_125, %add3A_127 : i32
      %select_n3A_129 = arith.constant true
      %select_n3A_130 = arith.select %select_n3A_129, %add3A_128, %select_n3A_125 : i32
      %eq3A_131 = arith.constant 8 : i32
      %eq3A_132 = arith.cmpi eq, %select_n3A_130, %eq3A_131 : i32
      %select_n3A_133 = arith.constant 0 : i32
      %select_n3A_134 = arith.select %eq3A_132, %select_n3A_133, %select_n3A_130 : i32
      %add3A_135 = arith.addi %select_n3A_134, %mul3A_6 : i32
      "tpu.trace_start"() <{level = 10 : i32, message = "ep_finalize"}> : () -> ()
      %rem3A_136 = arith.constant 2 : i32
      %rem3A_137 = arith.remui %scan3A_99#5, %rem3A_136 : i32
      %mul3A_138 = arith.constant 8 : i32
      %mul3A_139 = arith.muli %mul3A_138, %add3A_108 : i32
      %dma_wait3A = arith.constant 0 : i32
      %dma_wait3A_140 = arith.constant 0 : i32
      %dma_wait3A_141 = tpu.memref_slice %run_scoped3A_10[%rem3A_137, %dma_wait3A, %dma_wait3A_140] : memref<2x8x2048xf32, #tpu.memory_space<vmem>> -> memref<1x8x2048xf32, #tpu.memory_space<vmem>>
      %dma_wait3A_142 = tpu.memref_squeeze %dma_wait3A_141 : memref<1x8x2048xf32, #tpu.memory_space<vmem>> -> memref<8x2048xf32, #tpu.memory_space<vmem>>
      %dma_wait3A_143 = arith.constant 0 : i32
      %dma_wait3A_144 = tpu.memref_slice %arg4[%mul3A_139, %dma_wait3A_143] : memref<2048x2048xf32, #tpu.memory_space<hbm>> -> memref<8x2048xf32, #tpu.memory_space<hbm>>
      %dma_wait3A_145 = tpu.memref_slice %run_scoped3A_11[%rem3A_137] : memref<2x!tpu.dma_semaphore, #tpu.memory_space<semaphore_mem>> -> memref<1x!tpu.dma_semaphore, #tpu.memory_space<semaphore_mem>>
      %dma_wait3A_146 = tpu.memref_squeeze %dma_wait3A_145 : memref<1x!tpu.dma_semaphore, #tpu.memory_space<semaphore_mem>> -> memref<!tpu.dma_semaphore, #tpu.memory_space<semaphore_mem>>
      %dma_wait3A_147 = arith.constant 0 : i32
      %dma_wait3A_148 = tpu.memref_slice %arg4[%mul3A_139, %dma_wait3A_147] : memref<2048x2048xf32, #tpu.memory_space<hbm>> -> memref<8x2048xf32, #tpu.memory_space<hbm>>
      %dma_wait3A_149 = arith.constant 0 : i32
      %dma_wait3A_150 = arith.constant 0 : i32
      %dma_wait3A_151 = tpu.memref_slice %run_scoped3A_10[%rem3A_137, %dma_wait3A_149, %dma_wait3A_150] : memref<2x8x2048xf32, #tpu.memory_space<vmem>> -> memref<1x8x2048xf32, #tpu.memory_space<vmem>>
      %dma_wait3A_152 = tpu.memref_squeeze %dma_wait3A_151 : memref<1x8x2048xf32, #tpu.memory_space<vmem>> -> memref<8x2048xf32, #tpu.memory_space<vmem>>
      tpu.wait_dma2 semaphore(%dma_wait3A_146 : memref<!tpu.dma_semaphore, #tpu.memory_space<semaphore_mem>>) src(%dma_wait3A_152 : memref<8x2048xf32, #tpu.memory_space<vmem>>) dst(%dma_wait3A_148 : memref<8x2048xf32, #tpu.memory_space<hbm>>)
      "tpu.trace_stop"() : () -> ()
      tpu.yield
    }) : () -> ()
    return
  }
}

module attributes {stable_mosaic.version = 14 : i64} {
  func.func @_tc_mean_body(%arg0: i32, %arg1: memref<512x2048xf32, #tpu.memory_space<vmem>>, %arg2: memref<512x2048xf32, #tpu.memory_space<vmem>>, %arg3: memref<512x2048xf32, #tpu.memory_space<vmem>>) attributes {dimension_semantics = [#tpu.dimension_semantics<arbitrary>], iteration_bounds = array<i64: 12>, scalar_prefetch = 0 : i64, scratch_operands = 0 : i64, tpu.core_type = #tpu.core_type<tc>, window_params = [{transform_indices = @transform_0, window_bounds = array<i64: 512, 2048>}, {transform_indices = @transform_1, window_bounds = array<i64: 512, 2048>}, {transform_indices = @transform_2, window_bounds = array<i64: 512, 2048>}]} {
    %get3A = arith.constant 0 : index
    %get3A_0 = arith.constant 0 : index
    %get3A_1 = vector.load %arg1[%get3A, %get3A_0] : memref<512x2048xf32, #tpu.memory_space<vmem>>, vector<512x2048xf32>
    %get3A_2 = arith.constant 0 : index
    %get3A_3 = arith.constant 0 : index
    %get3A_4 = vector.load %arg2[%get3A_2, %get3A_3] : memref<512x2048xf32, #tpu.memory_space<vmem>>, vector<512x2048xf32>
    %add3A = arith.addf %get3A_1, %get3A_4 : vector<512x2048xf32>
    %mul3A = arith.constant 5.000000e-01 : f32
    %mul3A_5 = vector.broadcast %mul3A : f32 to vector<512x2048xf32>
    %mul3A_6 = arith.mulf %add3A, %mul3A_5 : vector<512x2048xf32>
    %swap3A = arith.constant 0 : index
    %swap3A_7 = arith.constant 0 : index
    %swap3A_8 = vector.load %arg3[%swap3A, %swap3A_7] : memref<512x2048xf32, #tpu.memory_space<vmem>>, vector<512x2048xf32>
    tpu.vector_store %arg3[%swap3A, %swap3A_7], %mul3A_6 {strides = array<i32>} : memref<512x2048xf32, #tpu.memory_space<vmem>>, vector<512x2048xf32>,
    return
  }
  func.func @transform_0(%arg0: i32) -> (i32, i32) {
    %c0_i32 = arith.constant 0 : i32
    %c0_i32_0 = arith.constant 0 : i32
    return %arg0, %c0_i32 : i32, i32
  }
  func.func @transform_1(%arg0: i32) -> (i32, i32) {
    %add3A = arith.constant 16 : i32
    %add3A_0 = arith.addi %arg0, %add3A : i32
    %c0_i32 = arith.constant 0 : i32
    %c0_i32_1 = arith.constant 0 : i32
    return %add3A_0, %c0_i32 : i32, i32
  }
  func.func @transform_2(%arg0: i32) -> (i32, i32) {
    %c0_i32 = arith.constant 0 : i32
    %c0_i32_0 = arith.constant 0 : i32
    return %arg0, %c0_i32 : i32, i32
  }
}

</mosaic_0001>

<sc_bundles>
// kernel: kernel.4.cloned.1.call-start
scs
__scs_entry_jumppad:
0x0: {  	(pc) =	sbr.rel $0x88, $3  }
0x1: {  	(tag) =	ssettag $0x0;
	lr =	simm.s32 $0x1  }
0x2: {  	[smem:$0x3FA0] =	sst lr;
	_ =	strace $0xD0000000  }
0x3: {  	_ = 	snop  }
0x4: {  	_ = 	snop  }
0x5: {  	_ = 	snop  }
0x6: {  	_ = 	snop  }
0x7: {  	_ = 	snop  }
__scs_overlays_trampoline_lowered:
0x8: {  	[smem:$0x3FAF] =	sst s0  }
0x9: {  	[smem:$0x3FB0] =	sst s1  }
0xa: {  	[smem:$0x3FB1] =	sst s2  }
0xb: {  	[smem:$0x3FB2] =	sst s3  }
0xc: {  	[smem:$0x3FB3] =	sst s4  }
0xd: {  	[smem:$0x3FB4] =	sst s5  }
0xe: {  	[smem:$0x3FB5] =	sst s6  }
0xf: {  	[smem:$0x3FB6] =	sst s7  }
0x10: {  	[smem:$0x3FB7] =	sst s8  }
0x11: {  	[smem:$0x3FB8] =	sst s9;
	s0 =	simm.s32 @!p0 $0x0  }
0x12: {  	s1 =	sld [smem:$0x3F9E];
	s0 =	simm.s32 @p0 $0x1  }
0x13: {  	[smem:$0x3FB9] =	sst s0;
	s0 =	simm.s32 @!p1 $0x0  }
0x14: {  	s2 =	sld [smem:$0x3F9D];
	s0 =	simm.s32 @p1 $0x1  }
0x15: {  	[smem:$0x3FBA] =	sst s0;
	s0 =	simm.s32 @!p2 $0x0  }
0x16: {  	s3 =	sld [smem:$0x3FDB];
	s0 =	simm.s32 @p2 $0x1  }
0x17: {  	s4 =	simm.s32 $0x1BF5;
	[smem:$0x3FBC] =	sst s0  }
0x18: {  	s0 =	sld [smem:$0x3F9F];
	_ =	swait.ge [sflag:s4], $0x0  }
0x19: {  	s7 =	sld [smem:$0x3FA0]  }
0x1a: {  	s8 =	sadd.s32 $0xFFFFE003, lr  }
0x1b: {  	s9 =	sadd.s32 $0xFFFFFEF7, lr;
	s5 =	simm.s32 $0xFFFFFFFF;
	p2 =	slt.u32 s8, $0xFFFFF086  }
0x1c: {  	p1 =	slt.u32 s9, $0xF7A;
	s5 =	simm.s32 @!p2 $0x0  }
0x1d: {  	s5 =	simm.s32 @p1 $0x1;
	p0 =	seq.s32 s7, s2  }
0x1e: {  	s7 =	smul.u32 @!p0 $0xF7A, s2;
	p2 =	seq.s32 @!p0 s5, $0x0  }
0x1f: {  	s9 =	smul.u32 $0xF7A, s1;
	s8 =	simm.s32 @!p0 $0x1BF5;
	p2 =	por !p2, p0  }
0x20: {  	[sflag:s8] =	ssyncset.s32 @!p0 $0xFFFFF086;
	s6 =	sadd.s32 @!p0 s3, s7;
	s7 =	simm.s32 @!p0 $0x108  }
0x21: {  	s3 =	sadd.s32 s3, s9;
	s6 =	sadd.s32 @!p0 $0x88, s6;
	s7 =	simm.s32 @p2 $0x1082  }
0x22: {  	[simem:s7], [sflag:s8] =	dma.local @!p0 [hbm:s6], $0xF7A  }
0x23: {  	s9 =	sor.u32 $0xD0000000, s2;
	s6 =	simm.s32 $0x108;
	_ =	swait.ge @!p0 [sflag:s8], $0x0  }
0x24: {  	s3 =	sadd.s32 $0x88, s3;
	s6 =	simm.s32 @!p1 $0x1082;
	[sflag:s4] =	ssyncset.s32 $0xFFFFF086  }
0x25: {  	[simem:s6], [sflag:s4] =	dma.local [hbm:s3], $0xF7A  }
0x26: {  	[smem:$0x3FA0] =	sst s1;
	(tag) =	ssettag s2;
	_ =	strace s9  }
0x27: {  	s1 =	sld [smem:$0x3FB0]  }
0x28: {  	s2 =	sld [smem:$0x3FB1]  }
0x29: {  	s4 =	sld [smem:$0x3FB3]  }
0x2a: {  	p0 =	seq.s32 s5, $0x0;
	s5 =	sld [smem:$0x3FB4]  }
0x2b: {  	s6 =	sld [smem:$0x3FB5]  }
0x2c: {  	s7 =	sld [smem:$0x3FB6]  }
0x2d: {  	s3 =	simm.s32 $0x108;
	s8 =	sld [smem:$0x3FB7]  }
0x2e: {  	s3 =	simm.s32 @!p0 $0x1082;
	s9 =	sld [smem:$0x3FB8]  }
0x2f: {  	lr =	sadd.s32 s0, s3;
	s0 =	sld [smem:$0x3FAF]  }
0x30: {  	s3 =	sld [smem:$0x3FB2]  }
0x31: {  	[smem:$0x3FBB] =	sst s10  }
0x32: {  	s10 =	sld [smem:$0x3FB9];
	_ =	sdelay $0x3  }
0x33: {  	p0 =	seq.s32 s10, $0x1;
	s10 =	sld [smem:$0x3FBB];
	_ =	sdelay $0x3  }
0x34: {  	[smem:$0x3FBB] =	sst s10  }
0x35: {  	s10 =	sld [smem:$0x3FBA];
	_ =	sdelay $0x3  }
0x36: {  	p1 =	seq.s32 s10, $0x1;
	s10 =	sld [smem:$0x3FBB];
	_ =	sdelay $0x3  }
0x37: {  	[smem:$0x3FBB] =	sst s10  }
0x38: {  	s10 =	sld [smem:$0x3FBC]  }
0x39: {  	_ = 	snop;
	(pc) =	sbr.ind lr, $3  }
0x3a: {  	_ = 	snop  }
0x3b: {  	_ = 	snop  }
0x3c: {  	p2 =	seq.s32 s10, $0x1;
	s10 =	sld [smem:$0x3FBB]  }
0x3d: {  	_ =	shalt  }
0x3e: {  	_ =	shalt  }
0x3f: {  	_ =	shalt  }
0x40: {  	_ =	shalt  }
0x41: {  	_ =	shalt  }
0x42: {  	_ =	shalt  }
0x43: {  	_ =	shalt  }
0x44: {  	_ =	shalt  }
0x45: {  	_ =	shalt  }
0x46: {  	_ =	shalt  }
0x47: {  	_ =	shalt  }
0x48: {  	_ =	shalt  }
0x49: {  	_ =	shalt  }
0x4a: {  	_ =	shalt  }
0x4b: {  	_ =	shalt  }
0x4c: {  	_ =	shalt  }
0x4d: {  	_ =	shalt  }
0x4e: {  	_ =	shalt  }
0x4f: {  	_ =	shalt  }
0x50: {  	_ =	shalt  }
0x51: {  	_ =	shalt  }
0x52: {  	_ =	shalt  }
0x53: {  	_ =	shalt  }
0x54: {  	_ =	shalt  }
0x55: {  	_ =	shalt  }
0x56: {  	_ =	shalt  }
0x57: {  	_ =	shalt  }
0x58: {  	_ =	shalt  }
0x59: {  	_ =	shalt  }
0x5a: {  	_ =	shalt  }
0x5b: {  	_ =	shalt  }
0x5c: {  	_ =	shalt  }
0x5d: {  	_ =	shalt  }
0x5e: {  	_ =	shalt  }
0x5f: {  	_ =	shalt  }
0x60: {  	_ =	shalt  }
0x61: {  	_ =	shalt  }
0x62: {  	_ =	shalt  }
0x63: {  	_ =	shalt  }
0x64: {  	_ =	shalt  }
0x65: {  	_ =	shalt  }
0x66: {  	_ =	shalt  }
0x67: {  	_ =	shalt  }
0x68: {  	_ =	shalt  }
0x69: {  	_ =	shalt  }
0x6a: {  	_ =	shalt  }
0x6b: {  	_ =	shalt  }
0x6c: {  	_ =	shalt  }
0x6d: {  	_ =	shalt  }
0x6e: {  	_ =	shalt  }
0x6f: {  	_ =	shalt  }
0x70: {  	_ =	shalt  }
0x71: {  	_ =	shalt  }
0x72: {  	_ =	shalt  }
0x73: {  	_ =	shalt  }
0x74: {  	_ =	shalt  }
0x75: {  	_ =	shalt  }
0x76: {  	_ =	shalt  }
0x77: {  	_ =	shalt  }
0x78: {  	_ =	shalt  }
0x79: {  	_ =	shalt  }
0x7a: {  	_ =	shalt  }
0x7b: {  	_ =	shalt  }
0x7c: {  	_ =	shalt  }
0x7d: {  	_ =	shalt  }
0x7e: {  	_ =	shalt  }
0x7f: {  	_ =	shalt  }
0x80: {  	_ =	shalt  }
0x81: {  	_ =	shalt  }
0x82: {  	_ =	shalt  }
0x83: {  	_ =	shalt  }
0x84: {  	_ =	shalt  }
0x85: {  	_ =	shalt  }
0x86: {  	_ =	shalt  }
0x87: {  	_ =	shalt  }
.Lfunc_end0:
.L_simem_size_0:
called_computation_lowered:
.L_overlay_start_0:
0x88: {  	s2 =	sld [smem:$0x3FD9]  }
0x89: {  	s3 =	sld [smem:$0x3FFE];
	_ =	sdelay $0x1  }
0x8a: {  	s1 =	srdreg.scid  }
0x8b: {  	s0 =	sand.u32 $0x1, s1  }
0x8c: {  	s17 =	sshll.u32 s0, $0xA;
	s2 =	sadd.s32 s3, s2  }
0x8d: {  	s2 =	sadd.s32 s2, s17  }
0x8e: {  	[smem:$0x3FC7] =	sst s2  }
0x8f: {  	_ = 	snop  }
0x90: {  	s2 =	sld [smem:$0x3FC9];
	(tm) =	ssettm $0x1  }
0x91: {  	s18 =	sld [smem:$0x3FFB];
	_ =	sdelay $0x3  }
0x92: {  	_ =	strace s18  }
0x93: {  	s3 =	sld [smem:$0x3FFC];
	_ =	sdelay $0x3  }
0x94: {  	_ =	strace s3  }
0x95: {  	s3 =	sld [smem:$0x3FFD];
	_ =	sdelay $0x3  }
0x96: {  	_ =	strace s3  }
0x97: {  	_ =	strace $0x8FFFFFFF  }
0x98: {  	s19 =	sld [smem:$0x3FDB];
	_ =	sdelay $0x1  }
0x99: {  	s4 =	simm.s32 $_scs_section_size  }
0x9a: {  	s5 =	simm.s32 $_size__tile_overlayer_lowered;
	s6 =	simm.s32 $_tile_overlayer_lowered  }
0x9b: {  	s22 =	simm.s32 $0x1BFF;
	s21 =	sshll.u32 s6, $0x1;
	s3 =	sadd.s32 s4, s19  }
0x9c: {  	s7 =	simm.s32 $0x0;
	s20 =	sshll.u32 s5, $0x1;
	s5 =	sadd.s32 s21, s3  }
0x9d: {  	[timem:s7], [sflag:s22] =	dma.local [hbm:s5], s20  }
0x9e: {  	_ =	swait.ge [sflag:s22], s20  }
0x9f: {  	s4 =	ssub.s32 $0x0, s20;
	[sflag:s22] =	ssyncset.done $0x0  }
0xa0: {  	[sflag:s22] =	ssyncadd.s32 s4;
	_ =	sdelay $0x1  }
0xa1: {  	s23 =	simm.s32 $0x1B8B  }
0xa2: {  	_ =	swait.ge [sflag:s23], $0x1  }
0xa3: {  	[sflag:s23] =	ssyncset.done $0x0  }
0xa4: {  	s25 =	simm.s32 $0x1B8E;
	s24 =	sld [smem:$0x3FFE];
	[sflag:s23] =	ssyncadd.s32 $0xFFFFFFFF  }
0xa5: {  	s26 =	simm.s32 $execute0_lowered;
	[smem:$0x3FD2] =	sst s25  }
0xa6: {  	s5 =	sshll.u32 s26, $0x1;
	_ =	strace $0x80000046;
	[dreg:$0x1] =	wrdreg $0xFFFFFFFF  }
0xa7: {  	s28 =	simm.s32 $_size_execute0_lowered;
	s3 =	sadd.s32 s3, s5;
	[dreg:$0x0] =	wrdreg $0x0  }
0xa8: {  	s5 =	sshll.u32 s28, $0x1;
	[dreg:$0x2] =	wrdreg s3  }
0xa9: {  	[dreg:$0x3] =	wrdreg s5  }
0xaa: {  	[dreg:$0x4] =	wrdreg $0xC0  }
0xab: {  	_ =	task [dreg:s7], $0x5FFFF  }
0xac: {  	[dreg:$0x1] =	wrdreg $0xFFFFFFFF  }
0xad: {  	[dreg:$0x0] =	wrdreg $0x60  }
0xae: {  	[dreg:$0x2] =	wrdreg s2  }
0xaf: {  	[dreg:$0x3] =	wrdreg s24  }
0xb0: {  	[dreg:$0x4] =	wrdreg $0x9  }
0xb1: {  	_ =	task.clear_ibuf [dreg:s7], $0x5FFFF;
	_ =	strace $0x90000046  }
0xb2: {  	s29 =	simm.s32 $0x9;
	_ =	strace $0x80000051  }
0xb3: {  	_ =	swait.ge [sflag:s29], $0x1  }
0xb4: {  	[sflag:s29] =	ssyncadd.s32 $0xFFFFFFFF  }
0xb5: {  	_ =	strace $0x90000051  }
0xb6: {  	_ =	sfence  }
0xb7: {  	s30 =	sld [smem:$0x0];
	_ =	sdelay $0x2  }
0xb8: {  	s31 =	sshll.u32 s1, $0xD;
	s1 =	sshrl.u32 s1, $0x2  }
0xb9: {  	s3 =	sand.u32 $0x4000, s31;
	s1 =	sadd.s32 s1, s30  }
0xba: {  	s0 =	sor.u32 s3, s0;
	s1 =	sshll.u32 s1, $0x11  }
0xbb: {  	s0 =	sor.u32 s1, s0  }
0xbc: {  	s0 =	sadd.s32 $0x8F2B, s0  }
0xbd: {  	[sflag:s0] =	ssyncadd.remote.s32 $0x1  }
0xbe: {  	_ =	sfence.sel $0xFFFF  }
0xbf: {  	[dreg:$0x0] =	wrdreg $0xFFFFFFFF;
	(pc) =	sbr.abs _section_cstart, $3  }
0xc0: {  	[dreg:$0x1] =	wrdreg $0xFFFFFFFF  }
0xc1: {  	_ =	task.clear_ibuf [dreg:s7], $0x2FFFF;
	_ =	strace $0x9FFFFFFF  }
0xc2: {  	(tm) =	ssettm $0x7FFFFFFF  }
0xc3: {  	_ =	shalt  }
tec
execute0_lowered:
.L_overlay_start_1:
0x0: {  	(tag) =	ssettag $0x1  }
0x1: {  	s2 =	rddreg [dreg:$0x0]  }
0x2: {  	s0 =	rddreg [dreg:$0x1]  }
0x3: {  	s3 =	srdreg.scid;
	s1 =	stileid.u32;
	s9 =	simm.s32 $0x8000  }
0x4: {  	s10 =	simm.s32 $0x6;
	s11 =	simm.s32 $0x0;
	s4 =	sand.u32 $0x1, s3  }
0x5: {  	s3 =	simm.s32 $0x0;
	s6 =	sshll.u32 s1, $0x3;
	s5 =	sshll.u32 s4, $0x7  }
0x6: {  	[smem:$0x7FF] =	sst s3;
	s7 =	ssub.s32 $0x2, s4;
	s4 =	sor.u32 s6, s5  }
0x7: {  	_ =	strace $0x80000047;
	s29 =	sshrl.u32 s7, $0x1;
	s8 =	sshll.u32 s4, $0xB  }
0x8: {  	s5 =	sadd.s32 $0x400, s0;
	s30 =	ssub.s32 s7, s29;
	s31 =	sadd.s32 s8, s2  }
0x9: {  	s8 =	smax.u32 s30, $0x1;
	s6 =	sadd.s32 $0x180000, s31;
	s7 =	sadd.s32 $0x380000, s31  }
.LBB2_1:
0xa: {  	_ =	strace $0x80000048  }
0xb: {  	s20 =	simm.s32 $0x0;
	s12 =	simm.s32 $0x0;
	s13 =	simm.s32 $0x0  }
0xc: {  	[tilespmem:s3], [sflag:$0x1] =	stream.linear.gather [hbm4b:s6+s3], $0x4000, $0x200038;
	[tilespmem:$0x18000] =	vst v63  }
0xd: {  	s14 =	simm.s32 $0x0;
	s15 =	simm.s32 $0x1;
	s16 =	simm.s32 $0x0  }
0xe: {  	[tilespmem:s9], [sflag:$0x3] =	stream.linear.gather [hbm4b:s7+s3], $0x4000, $0x200038;
	[tilespmem:$0x18000] =	vst v63  }
0xf: {  	s17 =	simm.s32 $0x1;
	s18 =	simm.s32 $0x0;
	_ =	strace $0x90000048  }
.LBB2_2:
0x10: {  	s19 =	sadd.s32 $0x1, s20  }
0x11: {  	p0 =	seq.s32 s19, $0x8  }
0x12: {  	s19 =	simm.s32 @p0 $0x0;
	p0 =	seq.s32 s18, $0x7  }
0x13: {  	p1 =	seq.s32 @!p0 s20, s19  }
0x14: {  	p2 =	por p1, p0  }
0x15: {  	s0 =	sadd.s32 @!p2 s4, s19  }
0x16: {  	s0 =	sshll.u32 @!p2 s0, $0xE  }
0x17: {  	s22 =	sand.u32 @!p2 $0x1, s17;
	_ =	strace @!p2 $0x80000049;
	s21 =	sadd.s32 @!p2 $0xC00000, s0  }
0x18: {  	s25 =	simm.s32 @!p2 $0x0;
	s24 =	sshll.u32 @!p2 s22, $0xE;
	s21 =	sshrl.u32 @!p2 s21, $0x3  }
0x19: {  	s22 =	sadd.s32 @!p2 $0x1, s22;
	s0 =	sadd.s32 @!p2 $0x1C00000, s0;
	s21 =	sadd.s32 @!p2 s2, s21  }
0x1a: {  	[tilespmem:s24], [sflag:s22] =	stream.linear.gather @!p2 [hbm4b:s21+s25], $0x4000, $0x200038;
	[tilespmem:$0x18000] =	vst v63  }
0x1b: {  	s0 =	sshrl.u32 @!p2 s0, $0x3;
	s21 =	sand.u32 @!p2 $0x1, s15  }
0x1c: {  	s0 =	sadd.s32 @!p2 s2, s0;
	_ =	strace @!p2 $0x90000049;
	s22 =	sshll.u32 @!p2 s21, $0xE  }
0x1d: {  	s21 =	sadd.s32 @!p2 $0x3, s21;
	_ =	strace @!p2 $0x8000004A;
	s22 =	sor.u32 @!p2 $0x8000, s22  }
0x1e: {  	[tilespmem:s22], [sflag:s21] =	stream.linear.gather @!p2 [hbm4b:s0+s25], $0x4000, $0x200038;
	[tilespmem:$0x18000] =	vst v63  }
0x1f: {  	s0 =	sand.u32 $0x1, s16;
	_ =	strace @!p2 $0x9000004A  }
0x20: {  	s24 =	sadd.s32 $0x1, s0;
	_ =	strace $0x8000004B  }
0x21: {  	_ =	swait.ge [sflag:s24], $0x4000  }
0x22: {  	[sflag:s24] =	ssyncset.done $0x0  }
0x23: {  	[sflag:s24] =	ssyncadd.s32 $0xFFFFC000  }
0x24: {  	s25 =	sand.u32 $0x1, s14;
	_ =	strace $0x9000004B  }
0x25: {  	s26 =	sadd.s32 $0x3, s25;
	_ =	strace $0x8000004C  }
0x26: {  	_ =	swait.ge [sflag:s26], $0x4000  }
0x27: {  	[sflag:s26] =	ssyncset.done $0x0  }
0x28: {  	s0 =	sshll.u32 s0, $0x10;
	[sflag:s26] =	ssyncadd.s32 $0xFFFFC000  }
0x29: {  	s21 =	sshll.u32 s25, $0x10;
	s25 =	sshrl.u32 s0, $0x2;
	_ =	strace $0x9000004C  }
0x2a: {  	s0 =	sor.u32 $0x40, s25;
	s26 =	sshrl.u32 s21, $0x2;
	_ =	strace $0x8000004D  }
0x2b: {  	s29 =	sor.u32 $0x8040, s26;
	v1 =	vld [tilespmem:s0+$0x30]  }
0x2c: {  	v2 =	vld [tilespmem:s29+$0x30]  }
0x2d: {  	v0 =	vld [tilespmem:s29+$0xFFFFFFC0]  }
0x2e: {  	v3 =	vld [tilespmem:s0+$0xFFFFFFD0]  }
0x2f: {  	v4 =	vld [tilespmem:s29+$0xFFFFFFD0]  }
0x30: {  	v5 =	vld [tilespmem:s0+$0xFFFFFFE0]  }
0x31: {  	v6 =	vld [tilespmem:s29+$0xFFFFFFE0]  }
0x32: {  	v7 =	vld [tilespmem:s0+$0xFFFFFFF0]  }
0x33: {  	v8 =	vld [tilespmem:s29+$0xFFFFFFF0]  }
0x34: {  	s21 =	sand.u32 $0x1, s13;
	v9 =	vld [tilespmem:s0+$0x0];
	v1 =	vadd.f32 v2, v1  }
0x35: {  	s22 =	sshll.u32 s21, $0x10;
	v10 =	vld [tilespmem:s29+$0x0];
	v2 =	vadd.f32 v4, v3  }
0x36: {  	s23 =	smov.u32 s17;
	s28 =	sshrl.u32 s22, $0x2;
	v4 =	vadd.f32 v6, v5;
	v3 =	vmul.f32 $5.000000000e-01, v1;
	v1 =	vld [tilespmem:s0+$0x10]  }
0x37: {  	p1 =	por !p1, p0;
	s24 =	sadd.s32 @!p2 $0x1, s17;
	s30 =	sor.u32 $0x10040, s28;
	v5 =	vmul.f32 $5.000000000e-01, v2;
	v2 =	vld [tilespmem:s29+$0x10]  }
0x38: {  	s31 =	simm.s32 $0x0;
	s17 =	smov.u32 @p1 s24;
	s22 =	simm.s32 $0x0;
	v7 =	vadd.f32 v8, v7;
	v6 =	vmul.f32 $5.000000000e-01, v4;
	[tilespmem:s30+$0x30] =	vst v3;
	v3 =	vld [tilespmem:s0+$0x20]  }
0x39: {  	s24 =	sadd.s32 s4, s20;
	s17 =	smov.u32 @p0 s23;
	s22 =	simm.s32 @p1 $0x1;
	[tilespmem:s30+$0xFFFFFFD0] =	vst v5;
	v5 =	vld [tilespmem:s29+$0x20]  }
0x3a: {  	s23 =	sor.u32 $0x10000, s28;
	s22 =	simm.s32 @p0 $0x0;
	v4 =	vld [tilespmem:s0+$0xFFFFFFC0];
	[tilespmem:s30+$0xFFFFFFE0] =	vst v6;
	v6 =	vmul.f32 $5.000000000e-01, v7;
	v7 =	vadd.f32 v10, v9;
	s0 =	sadd.s32 $0x400, s0  }
.LBB2_3:
0x3b: {  	v8 =	vld [tilespmem:s0+$0x30];
	s29 =	sadd.s32 $0x400, s29  }
0x3c: {  	s31 =	sadd.s32 $0x80, s31;
	v9 =	vld [tilespmem:s29+$0x30];
	[tilespmem:s30+$0xFFFFFFF0] =	vst v6;
	v6 =	vmul.f32 $5.000000000e-01, v7;
	v1 =	vadd.f32 v2, v1  }
0x3d: {  	p1 =	slt.u32 s31, $0x780;
	v2 =	vld [tilespmem:s29+$0xFFFFFFC0]  }
0x3e: {  	v7 =	vld [tilespmem:s0+$0xFFFFFFD0];
	[tilespmem:s30+$0x0] =	vst v6;
	v1 =	vmul.f32 $5.000000000e-01, v1;
	v3 =	vadd.f32 v5, v3  }
0x3f: {  	v5 =	vld [tilespmem:s29+$0xFFFFFFD0];
	v10 =	vadd.f32 v0, v4  }
0x40: {  	v4 =	vld [tilespmem:s0+$0xFFFFFFE0];
	[tilespmem:s30+$0x10] =	vst v1;
	v1 =	vmul.f32 $5.000000000e-01, v3  }
0x41: {  	v3 =	vld [tilespmem:s29+$0xFFFFFFE0];
	v6 =	vadd.f32 v9, v8;
	v8 =	vmul.f32 $5.000000000e-01, v10  }
0x42: {  	v9 =	vld [tilespmem:s0+$0xFFFFFFF0];
	[tilespmem:s30+$0x20] =	vst v1;
	v0 =	vmov v2  }
0x43: {  	v10 =	vld [tilespmem:s29+$0xFFFFFFF0];
	v1 =	vmul.f32 $5.000000000e-01, v6;
	[tilespmem:s30+$0xFFFFFFC0] =	vst v8  }
0x44: {  	s30 =	sadd.s32 $0x400, s30;
	v2 =	vadd.f32 v5, v7;
	v7 =	vld [tilespmem:s0+$0x0]  }
0x45: {  	v8 =	vld [tilespmem:s29+$0x0];
	[tilespmem:s30+$0x30] =	vst v1  }
.Ltmp0:
0x46: {  	v5 =	vmul.f32 $5.000000000e-01, v2;
	v3 =	vadd.f32 v3, v4;
	v1 =	vld [tilespmem:s0+$0x10];
	(pc) =	sbr.rel @p1 .LBB2_3-.Ltmp0, $4  }
0x47: {  	v2 =	vld [tilespmem:s29+$0x10]  }
0x48: {  	[tilespmem:s30+$0xFFFFFFD0] =	vst v5;
	v6 =	vmul.f32 $5.000000000e-01, v3;
	v9 =	vadd.f32 v10, v9;
	v3 =	vld [tilespmem:s0+$0x20]  }
0x49: {  	v5 =	vld [tilespmem:s29+$0x20]  }
0x4a: {  	v4 =	vld [tilespmem:s0+$0xFFFFFFC0];
	[tilespmem:s30+$0xFFFFFFE0] =	vst v6;
	v6 =	vmul.f32 $5.000000000e-01, v9;
	v7 =	vadd.f32 v8, v7;
	s0 =	sadd.s32 $0x400, s0  }
0x4b: {  	_ =	sdelay $0x1  }
0x4c: {  	v1 =	vadd.f32 v2, v1  }
0x4d: {  	v2 =	vmul.f32 $5.000000000e-01, v7;
	v3 =	vadd.f32 v5, v3  }
0x4e: {  	[tilespmem:s30+$0xFFFFFFF0] =	vst v6;
	v1 =	vmul.f32 $5.000000000e-01, v1;
	v0 =	vadd.f32 v0, v4  }
0x4f: {  	[tilespmem:s30+$0x0] =	vst v2;
	v2 =	vmul.f32 $5.000000000e-01, v3  }
0x50: {  	[tilespmem:s30+$0x10] =	vst v1;
	v0 =	vmul.f32 $5.000000000e-01, v0  }
0x51: {  	[tilespmem:s30+$0x20] =	vst v2  }
0x52: {  	s0 =	sadd.s32 $0xF0, s25;
	[tilespmem:s30+$0xFFFFFFC0] =	vst v0  }
0x53: {  	s29 =	sadd.s32 $0x80F0, s26;
	v1 =	vld [tilespmem:s0+$0x0]  }
0x54: {  	v2 =	vld [tilespmem:s29+$0x0]  }
0x55: {  	v0 =	vld [tilespmem:s29+$0xFFFFFF90]  }
0x56: {  	v3 =	vld [tilespmem:s0+$0xFFFFFFA0]  }
0x57: {  	v4 =	vld [tilespmem:s29+$0xFFFFFFA0]  }
0x58: {  	v5 =	vld [tilespmem:s0+$0xFFFFFFB0]  }
0x59: {  	v6 =	vld [tilespmem:s29+$0xFFFFFFB0]  }
0x5a: {  	v7 =	vld [tilespmem:s0+$0xFFFFFFC0]  }
0x5b: {  	v8 =	vld [tilespmem:s29+$0xFFFFFFC0]  }
0x5c: {  	v9 =	vld [tilespmem:s0+$0xFFFFFFD0];
	v1 =	vadd.f32 v2, v1  }
0x5d: {  	v10 =	vld [tilespmem:s29+$0xFFFFFFD0];
	v2 =	vadd.f32 v4, v3  }
0x5e: {  	v5 =	vadd.f32 v6, v5;
	v3 =	vld [tilespmem:s29+$0xFFFFFFE0];
	v4 =	vmul.f32 $5.000000000e-01, v1  }
0x5f: {  	s30 =	sadd.s32 $0x100F0, s28;
	v1 =	vld [tilespmem:s0+$0xFFFFFFE0];
	v6 =	vmul.f32 $5.000000000e-01, v2  }
0x60: {  	v7 =	vadd.f32 v8, v7;
	v11 =	vmul.f32 $5.000000000e-01, v5;
	v2 =	vld [tilespmem:s0+$0xFFFFFFF0];
	[tilespmem:s30+$0x0] =	vst v4  }
0x61: {  	v5 =	vld [tilespmem:s29+$0xFFFFFFF0];
	[tilespmem:s30+$0xFFFFFFA0] =	vst v6  }
0x62: {  	s31 =	simm.s32 $0x0;
	v4 =	vld [tilespmem:s0+$0xFFFFFF90];
	[tilespmem:s30+$0xFFFFFFB0] =	vst v11;
	v6 =	vmul.f32 $5.000000000e-01, v7;
	v7 =	vadd.f32 v10, v9;
	s0 =	sadd.s32 $0x400, s0  }
.LBB2_5:
0x63: {  	v8 =	vld [tilespmem:s0+$0x0];
	s29 =	sadd.s32 $0x400, s29  }
0x64: {  	s31 =	sadd.s32 $0x80, s31;
	v9 =	vld [tilespmem:s29+$0x0];
	[tilespmem:s30+$0xFFFFFFC0] =	vst v6;
	v6 =	vmul.f32 $5.000000000e-01, v7;
	v1 =	vadd.f32 v3, v1  }
0x65: {  	p1 =	slt.u32 s31, $0x780;
	v3 =	vld [tilespmem:s29+$0xFFFFFF90]  }
0x66: {  	v7 =	vld [tilespmem:s0+$0xFFFFFFA0];
	[tilespmem:s30+$0xFFFFFFD0] =	vst v6;
	v1 =	vmul.f32 $5.000000000e-01, v1;
	v2 =	vadd.f32 v5, v2  }
0x67: {  	v5 =	vld [tilespmem:s29+$0xFFFFFFA0];
	v10 =	vadd.f32 v0, v4  }
0x68: {  	v4 =	vld [tilespmem:s0+$0xFFFFFFB0];
	[tilespmem:s30+$0xFFFFFFE0] =	vst v1;
	v1 =	vmul.f32 $5.000000000e-01, v2  }
0x69: {  	v2 =	vld [tilespmem:s29+$0xFFFFFFB0];
	v6 =	vadd.f32 v9, v8;
	v8 =	vmul.f32 $5.000000000e-01, v10  }
0x6a: {  	v9 =	vld [tilespmem:s0+$0xFFFFFFC0];
	[tilespmem:s30+$0xFFFFFFF0] =	vst v1;
	v0 =	vmov v3  }
0x6b: {  	v10 =	vld [tilespmem:s29+$0xFFFFFFC0];
	v1 =	vmul.f32 $5.000000000e-01, v6;
	[tilespmem:s30+$0xFFFFFF90] =	vst v8  }
0x6c: {  	s30 =	sadd.s32 $0x400, s30;
	v3 =	vadd.f32 v5, v7;
	v7 =	vld [tilespmem:s0+$0xFFFFFFD0]  }
0x6d: {  	v8 =	vld [tilespmem:s29+$0xFFFFFFD0];
	[tilespmem:s30+$0x0] =	vst v1  }
.Ltmp1:
0x6e: {  	v5 =	vmul.f32 $5.000000000e-01, v3;
	v2 =	vadd.f32 v2, v4;
	v1 =	vld [tilespmem:s0+$0xFFFFFFE0];
	(pc) =	sbr.rel @p1 .LBB2_5-.Ltmp1, $4  }
0x6f: {  	v3 =	vld [tilespmem:s29+$0xFFFFFFE0]  }
0x70: {  	[tilespmem:s30+$0xFFFFFFA0] =	vst v5;
	v6 =	vmul.f32 $5.000000000e-01, v2;
	v9 =	vadd.f32 v10, v9;
	v2 =	vld [tilespmem:s0+$0xFFFFFFF0]  }
0x71: {  	v5 =	vld [tilespmem:s29+$0xFFFFFFF0]  }
0x72: {  	v4 =	vld [tilespmem:s0+$0xFFFFFF90];
	[tilespmem:s30+$0xFFFFFFB0] =	vst v6;
	v6 =	vmul.f32 $5.000000000e-01, v9;
	v7 =	vadd.f32 v8, v7;
	s0 =	sadd.s32 $0x400, s0  }
0x73: {  	_ =	sdelay $0x1  }
0x74: {  	v1 =	vadd.f32 v3, v1  }
0x75: {  	v3 =	vmul.f32 $5.000000000e-01, v7;
	v2 =	vadd.f32 v5, v2  }
0x76: {  	[tilespmem:s30+$0xFFFFFFC0] =	vst v6;
	v1 =	vmul.f32 $5.000000000e-01, v1;
	v0 =	vadd.f32 v0, v4  }
0x77: {  	[tilespmem:s30+$0xFFFFFFD0] =	vst v3;
	v2 =	vmul.f32 $5.000000000e-01, v2  }
0x78: {  	[tilespmem:s30+$0xFFFFFFE0] =	vst v1;
	v0 =	vmul.f32 $5.000000000e-01, v0  }
0x79: {  	[tilespmem:s30+$0xFFFFFFF0] =	vst v2  }
0x7a: {  	s0 =	sadd.s32 $0x170, s25;
	[tilespmem:s30+$0xFFFFFF90] =	vst v0  }
0x7b: {  	s29 =	sadd.s32 $0x8170, s26;
	v1 =	vld [tilespmem:s0+$0x0]  }
0x7c: {  	v2 =	vld [tilespmem:s29+$0x0]  }
0x7d: {  	v0 =	vld [tilespmem:s29+$0xFFFFFF90]  }
0x7e: {  	v3 =	vld [tilespmem:s0+$0xFFFFFFA0]  }
0x7f: {  	v4 =	vld [tilespmem:s29+$0xFFFFFFA0]  }
0x80: {  	v5 =	vld [tilespmem:s0+$0xFFFFFFB0]  }
0x81: {  	v6 =	vld [tilespmem:s29+$0xFFFFFFB0]  }
0x82: {  	v7 =	vld [tilespmem:s0+$0xFFFFFFC0]  }
0x83: {  	v8 =	vld [tilespmem:s29+$0xFFFFFFC0]  }
0x84: {  	v9 =	vld [tilespmem:s0+$0xFFFFFFD0];
	v1 =	vadd.f32 v2, v1  }
0x85: {  	v10 =	vld [tilespmem:s29+$0xFFFFFFD0];
	v2 =	vadd.f32 v4, v3  }
0x86: {  	v5 =	vadd.f32 v6, v5;
	v3 =	vld [tilespmem:s29+$0xFFFFFFE0];
	v4 =	vmul.f32 $5.000000000e-01, v1  }
0x87: {  	s30 =	sadd.s32 $0x10170, s28;
	v1 =	vld [tilespmem:s0+$0xFFFFFFE0];
	v6 =	vmul.f32 $5.000000000e-01, v2  }
0x88: {  	v7 =	vadd.f32 v8, v7;
	v11 =	vmul.f32 $5.000000000e-01, v5;
	v2 =	vld [tilespmem:s0+$0xFFFFFFF0];
	[tilespmem:s30+$0x0] =	vst v4  }
0x89: {  	v5 =	vld [tilespmem:s29+$0xFFFFFFF0];
	[tilespmem:s30+$0xFFFFFFA0] =	vst v6  }
0x8a: {  	s31 =	simm.s32 $0x0;
	v4 =	vld [tilespmem:s0+$0xFFFFFF90];
	[tilespmem:s30+$0xFFFFFFB0] =	vst v11;
	v6 =	vmul.f32 $5.000000000e-01, v7;
	v7 =	vadd.f32 v10, v9;
	s0 =	sadd.s32 $0x400, s0  }
.LBB2_7:
0x8b: {  	v8 =	vld [tilespmem:s0+$0x0];
	s29 =	sadd.s32 $0x400, s29  }
0x8c: {  	s31 =	sadd.s32 $0x80, s31;
	v9 =	vld [tilespmem:s29+$0x0];
	[tilespmem:s30+$0xFFFFFFC0] =	vst v6;
	v6 =	vmul.f32 $5.000000000e-01, v7;
	v1 =	vadd.f32 v3, v1  }
0x8d: {  	p1 =	slt.u32 s31, $0x780;
	v3 =	vld [tilespmem:s29+$0xFFFFFF90]  }
0x8e: {  	v7 =	vld [tilespmem:s0+$0xFFFFFFA0];
	[tilespmem:s30+$0xFFFFFFD0] =	vst v6;
	v1 =	vmul.f32 $5.000000000e-01, v1;
	v2 =	vadd.f32 v5, v2  }
0x8f: {  	v5 =	vld [tilespmem:s29+$0xFFFFFFA0];
	v10 =	vadd.f32 v0, v4  }
0x90: {  	v4 =	vld [tilespmem:s0+$0xFFFFFFB0];
	[tilespmem:s30+$0xFFFFFFE0] =	vst v1;
	v1 =	vmul.f32 $5.000000000e-01, v2  }
0x91: {  	v2 =	vld [tilespmem:s29+$0xFFFFFFB0];
	v6 =	vadd.f32 v9, v8;
	v8 =	vmul.f32 $5.000000000e-01, v10  }
0x92: {  	v9 =	vld [tilespmem:s0+$0xFFFFFFC0];
	[tilespmem:s30+$0xFFFFFFF0] =	vst v1;
	v0 =	vmov v3  }
0x93: {  	v10 =	vld [tilespmem:s29+$0xFFFFFFC0];
	v1 =	vmul.f32 $5.000000000e-01, v6;
	[tilespmem:s30+$0xFFFFFF90] =	vst v8  }
0x94: {  	s30 =	sadd.s32 $0x400, s30;
	v3 =	vadd.f32 v5, v7;
	v7 =	vld [tilespmem:s0+$0xFFFFFFD0]  }
0x95: {  	v8 =	vld [tilespmem:s29+$0xFFFFFFD0];
	[tilespmem:s30+$0x0] =	vst v1  }
.Ltmp2:
0x96: {  	v5 =	vmul.f32 $5.000000000e-01, v3;
	v2 =	vadd.f32 v2, v4;
	v1 =	vld [tilespmem:s0+$0xFFFFFFE0];
	(pc) =	sbr.rel @p1 .LBB2_7-.Ltmp2, $4  }
0x97: {  	v3 =	vld [tilespmem:s29+$0xFFFFFFE0]  }
0x98: {  	[tilespmem:s30+$0xFFFFFFA0] =	vst v5;
	v6 =	vmul.f32 $5.000000000e-01, v2;
	v9 =	vadd.f32 v10, v9;
	v2 =	vld [tilespmem:s0+$0xFFFFFFF0]  }
0x99: {  	v5 =	vld [tilespmem:s29+$0xFFFFFFF0]  }
0x9a: {  	v4 =	vld [tilespmem:s0+$0xFFFFFF90];
	[tilespmem:s30+$0xFFFFFFB0] =	vst v6;
	v6 =	vmul.f32 $5.000000000e-01, v9;
	v7 =	vadd.f32 v8, v7;
	s0 =	sadd.s32 $0x400, s0  }
0x9b: {  	_ =	sdelay $0x1  }
0x9c: {  	v1 =	vadd.f32 v3, v1  }
0x9d: {  	v3 =	vmul.f32 $5.000000000e-01, v7;
	v2 =	vadd.f32 v5, v2  }
0x9e: {  	[tilespmem:s30+$0xFFFFFFC0] =	vst v6;
	v1 =	vmul.f32 $5.000000000e-01, v1;
	v0 =	vadd.f32 v0, v4  }
0x9f: {  	[tilespmem:s30+$0xFFFFFFD0] =	vst v3;
	v2 =	vmul.f32 $5.000000000e-01, v2  }
0xa0: {  	[tilespmem:s30+$0xFFFFFFE0] =	vst v1;
	v0 =	vmul.f32 $5.000000000e-01, v0  }
0xa1: {  	[tilespmem:s30+$0xFFFFFFF0] =	vst v2  }
0xa2: {  	s0 =	sadd.s32 $0x1F0, s25;
	[tilespmem:s30+$0xFFFFFF90] =	vst v0  }
0xa3: {  	s29 =	sadd.s32 $0x81F0, s26;
	v1 =	vld [tilespmem:s0+$0x0]  }
0xa4: {  	v2 =	vld [tilespmem:s29+$0x0]  }
0xa5: {  	v0 =	vld [tilespmem:s29+$0xFFFFFF90]  }
0xa6: {  	v3 =	vld [tilespmem:s0+$0xFFFFFFA0]  }
0xa7: {  	v4 =	vld [tilespmem:s29+$0xFFFFFFA0]  }
0xa8: {  	v5 =	vld [tilespmem:s0+$0xFFFFFFB0]  }
0xa9: {  	v6 =	vld [tilespmem:s29+$0xFFFFFFB0]  }
0xaa: {  	v7 =	vld [tilespmem:s0+$0xFFFFFFC0]  }
0xab: {  	v8 =	vld [tilespmem:s29+$0xFFFFFFC0]  }
0xac: {  	v9 =	vld [tilespmem:s0+$0xFFFFFFD0];
	v1 =	vadd.f32 v2, v1  }
0xad: {  	v10 =	vld [tilespmem:s29+$0xFFFFFFD0];
	v2 =	vadd.f32 v4, v3  }
0xae: {  	v5 =	vadd.f32 v6, v5;
	v3 =	vld [tilespmem:s29+$0xFFFFFFE0];
	v4 =	vmul.f32 $5.000000000e-01, v1  }
0xaf: {  	s30 =	sadd.s32 $0x101F0, s28;
	v1 =	vld [tilespmem:s0+$0xFFFFFFE0];
	v6 =	vmul.f32 $5.000000000e-01, v2  }
0xb0: {  	v7 =	vadd.f32 v8, v7;
	v11 =	vmul.f32 $5.000000000e-01, v5;
	v2 =	vld [tilespmem:s0+$0xFFFFFFF0];
	[tilespmem:s30+$0x0] =	vst v4  }
0xb1: {  	v5 =	vld [tilespmem:s29+$0xFFFFFFF0];
	[tilespmem:s30+$0xFFFFFFA0] =	vst v6  }
0xb2: {  	s31 =	simm.s32 $0x0;
	v4 =	vld [tilespmem:s0+$0xFFFFFF90];
	[tilespmem:s30+$0xFFFFFFB0] =	vst v11;
	v6 =	vmul.f32 $5.000000000e-01, v7;
	v7 =	vadd.f32 v10, v9;
	s0 =	sadd.s32 $0x400, s0  }
.LBB2_9:
0xb3: {  	v8 =	vld [tilespmem:s0+$0x0];
	s29 =	sadd.s32 $0x400, s29  }
0xb4: {  	s31 =	sadd.s32 $0x80, s31;
	v9 =	vld [tilespmem:s29+$0x0];
	[tilespmem:s30+$0xFFFFFFC0] =	vst v6;
	v6 =	vmul.f32 $5.000000000e-01, v7;
	v1 =	vadd.f32 v3, v1  }
0xb5: {  	p1 =	slt.u32 s31, $0x780;
	v3 =	vld [tilespmem:s29+$0xFFFFFF90]  }
0xb6: {  	v7 =	vld [tilespmem:s0+$0xFFFFFFA0];
	[tilespmem:s30+$0xFFFFFFD0] =	vst v6;
	v1 =	vmul.f32 $5.000000000e-01, v1;
	v2 =	vadd.f32 v5, v2  }
0xb7: {  	v5 =	vld [tilespmem:s29+$0xFFFFFFA0];
	v10 =	vadd.f32 v0, v4  }
0xb8: {  	v4 =	vld [tilespmem:s0+$0xFFFFFFB0];
	[tilespmem:s30+$0xFFFFFFE0] =	vst v1;
	v1 =	vmul.f32 $5.000000000e-01, v2  }
0xb9: {  	v2 =	vld [tilespmem:s29+$0xFFFFFFB0];
	v6 =	vadd.f32 v9, v8;
	v8 =	vmul.f32 $5.000000000e-01, v10  }
0xba: {  	v9 =	vld [tilespmem:s0+$0xFFFFFFC0];
	[tilespmem:s30+$0xFFFFFFF0] =	vst v1;
	v0 =	vmov v3  }
0xbb: {  	v10 =	vld [tilespmem:s29+$0xFFFFFFC0];
	v1 =	vmul.f32 $5.000000000e-01, v6;
	[tilespmem:s30+$0xFFFFFF90] =	vst v8  }
0xbc: {  	s30 =	sadd.s32 $0x400, s30;
	v3 =	vadd.f32 v5, v7;
	v7 =	vld [tilespmem:s0+$0xFFFFFFD0]  }
0xbd: {  	v8 =	vld [tilespmem:s29+$0xFFFFFFD0];
	[tilespmem:s30+$0x0] =	vst v1  }
.Ltmp3:
0xbe: {  	v5 =	vmul.f32 $5.000000000e-01, v3;
	v2 =	vadd.f32 v2, v4;
	v1 =	vld [tilespmem:s0+$0xFFFFFFE0];
	(pc) =	sbr.rel @p1 .LBB2_9-.Ltmp3, $4  }
0xbf: {  	v3 =	vld [tilespmem:s29+$0xFFFFFFE0]  }
0xc0: {  	[tilespmem:s30+$0xFFFFFFA0] =	vst v5;
	v6 =	vmul.f32 $5.000000000e-01, v2;
	v9 =	vadd.f32 v10, v9;
	v2 =	vld [tilespmem:s0+$0xFFFFFFF0]  }
0xc1: {  	v5 =	vld [tilespmem:s29+$0xFFFFFFF0]  }
0xc2: {  	v4 =	vld [tilespmem:s0+$0xFFFFFF90];
	[tilespmem:s30+$0xFFFFFFB0] =	vst v6;
	v6 =	vmul.f32 $5.000000000e-01, v9;
	v7 =	vadd.f32 v8, v7;
	s0 =	sadd.s32 $0x400, s0  }
0xc3: {  	_ =	sdelay $0x1  }
0xc4: {  	v1 =	vadd.f32 v3, v1  }
0xc5: {  	v3 =	vmul.f32 $5.000000000e-01, v7;
	v2 =	vadd.f32 v5, v2  }
0xc6: {  	[tilespmem:s30+$0xFFFFFFC0] =	vst v6;
	v1 =	vmul.f32 $5.000000000e-01, v1;
	v0 =	vadd.f32 v0, v4  }
0xc7: {  	[tilespmem:s30+$0xFFFFFFD0] =	vst v3;
	v2 =	vmul.f32 $5.000000000e-01, v2  }
0xc8: {  	[tilespmem:s30+$0xFFFFFFE0] =	vst v1;
	v0 =	vmul.f32 $5.000000000e-01, v0  }
0xc9: {  	[tilespmem:s30+$0xFFFFFFF0] =	vst v2  }
0xca: {  	s0 =	sadd.s32 $0x270, s25;
	[tilespmem:s30+$0xFFFFFF90] =	vst v0  }
0xcb: {  	s29 =	sadd.s32 $0x8270, s26;
	v1 =	vld [tilespmem:s0+$0x0]  }
0xcc: {  	v2 =	vld [tilespmem:s29+$0x0]  }
0xcd: {  	v0 =	vld [tilespmem:s29+$0xFFFFFF90]  }
0xce: {  	v3 =	vld [tilespmem:s0+$0xFFFFFFA0]  }
0xcf: {  	v4 =	vld [tilespmem:s29+$0xFFFFFFA0]  }
0xd0: {  	v5 =	vld [tilespmem:s0+$0xFFFFFFB0]  }
0xd1: {  	v6 =	vld [tilespmem:s29+$0xFFFFFFB0]  }
0xd2: {  	v7 =	vld [tilespmem:s0+$0xFFFFFFC0]  }
0xd3: {  	v8 =	vld [tilespmem:s29+$0xFFFFFFC0]  }
0xd4: {  	v9 =	vld [tilespmem:s0+$0xFFFFFFD0];
	v1 =	vadd.f32 v2, v1  }
0xd5: {  	v10 =	vld [tilespmem:s29+$0xFFFFFFD0];
	v2 =	vadd.f32 v4, v3  }
0xd6: {  	v5 =	vadd.f32 v6, v5;
	v3 =	vld [tilespmem:s29+$0xFFFFFFE0];
	v4 =	vmul.f32 $5.000000000e-01, v1  }
0xd7: {  	s30 =	sadd.s32 $0x10270, s28;
	v1 =	vld [tilespmem:s0+$0xFFFFFFE0];
	v6 =	vmul.f32 $5.000000000e-01, v2  }
0xd8: {  	v7 =	vadd.f32 v8, v7;
	v11 =	vmul.f32 $5.000000000e-01, v5;
	v2 =	vld [tilespmem:s0+$0xFFFFFFF0];
	[tilespmem:s30+$0x0] =	vst v4  }
0xd9: {  	v5 =	vld [tilespmem:s29+$0xFFFFFFF0];
	[tilespmem:s30+$0xFFFFFFA0] =	vst v6  }
0xda: {  	s31 =	simm.s32 $0x0;
	v4 =	vld [tilespmem:s0+$0xFFFFFF90];
	[tilespmem:s30+$0xFFFFFFB0] =	vst v11;
	v6 =	vmul.f32 $5.000000000e-01, v7;
	v7 =	vadd.f32 v10, v9;
	s0 =	sadd.s32 $0x400, s0  }
.LBB2_11:
0xdb: {  	v8 =	vld [tilespmem:s0+$0x0];
	s29 =	sadd.s32 $0x400, s29  }
0xdc: {  	s31 =	sadd.s32 $0x80, s31;
	v9 =	vld [tilespmem:s29+$0x0];
	[tilespmem:s30+$0xFFFFFFC0] =	vst v6;
	v6 =	vmul.f32 $5.000000000e-01, v7;
	v1 =	vadd.f32 v3, v1  }
0xdd: {  	p1 =	slt.u32 s31, $0x780;
	v3 =	vld [tilespmem:s29+$0xFFFFFF90]  }
0xde: {  	v7 =	vld [tilespmem:s0+$0xFFFFFFA0];
	[tilespmem:s30+$0xFFFFFFD0] =	vst v6;
	v1 =	vmul.f32 $5.000000000e-01, v1;
	v2 =	vadd.f32 v5, v2  }
0xdf: {  	v5 =	vld [tilespmem:s29+$0xFFFFFFA0];
	v10 =	vadd.f32 v0, v4  }
0xe0: {  	v4 =	vld [tilespmem:s0+$0xFFFFFFB0];
	[tilespmem:s30+$0xFFFFFFE0] =	vst v1;
	v1 =	vmul.f32 $5.000000000e-01, v2  }
0xe1: {  	v2 =	vld [tilespmem:s29+$0xFFFFFFB0];
	v6 =	vadd.f32 v9, v8;
	v8 =	vmul.f32 $5.000000000e-01, v10  }
0xe2: {  	v9 =	vld [tilespmem:s0+$0xFFFFFFC0];
	[tilespmem:s30+$0xFFFFFFF0] =	vst v1;
	v0 =	vmov v3  }
0xe3: {  	v10 =	vld [tilespmem:s29+$0xFFFFFFC0];
	v1 =	vmul.f32 $5.000000000e-01, v6;
	[tilespmem:s30+$0xFFFFFF90] =	vst v8  }
0xe4: {  	s30 =	sadd.s32 $0x400, s30;
	v3 =	vadd.f32 v5, v7;
	v7 =	vld [tilespmem:s0+$0xFFFFFFD0]  }
0xe5: {  	v8 =	vld [tilespmem:s29+$0xFFFFFFD0];
	[tilespmem:s30+$0x0] =	vst v1  }
.Ltmp4:
0xe6: {  	v5 =	vmul.f32 $5.000000000e-01, v3;
	v2 =	vadd.f32 v2, v4;
	v1 =	vld [tilespmem:s0+$0xFFFFFFE0];
	(pc) =	sbr.rel @p1 .LBB2_11-.Ltmp4, $4  }
0xe7: {  	v3 =	vld [tilespmem:s29+$0xFFFFFFE0]  }
0xe8: {  	[tilespmem:s30+$0xFFFFFFA0] =	vst v5;
	v6 =	vmul.f32 $5.000000000e-01, v2;
	v9 =	vadd.f32 v10, v9;
	v2 =	vld [tilespmem:s0+$0xFFFFFFF0]  }
0xe9: {  	v5 =	vld [tilespmem:s29+$0xFFFFFFF0]  }
0xea: {  	v4 =	vld [tilespmem:s0+$0xFFFFFF90];
	[tilespmem:s30+$0xFFFFFFB0] =	vst v6;
	v6 =	vmul.f32 $5.000000000e-01, v9;
	v7 =	vadd.f32 v8, v7;
	s0 =	sadd.s32 $0x400, s0  }
0xeb: {  	_ =	sdelay $0x1  }
0xec: {  	v1 =	vadd.f32 v3, v1  }
0xed: {  	v3 =	vmul.f32 $5.000000000e-01, v7;
	v2 =	vadd.f32 v5, v2  }
0xee: {  	[tilespmem:s30+$0xFFFFFFC0] =	vst v6;
	v1 =	vmul.f32 $5.000000000e-01, v1;
	v0 =	vadd.f32 v0, v4  }
0xef: {  	[tilespmem:s30+$0xFFFFFFD0] =	vst v3;
	v2 =	vmul.f32 $5.000000000e-01, v2  }
0xf0: {  	[tilespmem:s30+$0xFFFFFFE0] =	vst v1;
	v0 =	vmul.f32 $5.000000000e-01, v0  }
0xf1: {  	[tilespmem:s30+$0xFFFFFFF0] =	vst v2  }
0xf2: {  	s0 =	sadd.s32 $0x2F0, s25;
	[tilespmem:s30+$0xFFFFFF90] =	vst v0  }
0xf3: {  	s29 =	sadd.s32 $0x82F0, s26;
	v1 =	vld [tilespmem:s0+$0x0]  }
0xf4: {  	v2 =	vld [tilespmem:s29+$0x0]  }
0xf5: {  	v0 =	vld [tilespmem:s29+$0xFFFFFF90]  }
0xf6: {  	v3 =	vld [tilespmem:s0+$0xFFFFFFA0]  }
0xf7: {  	v4 =	vld [tilespmem:s29+$0xFFFFFFA0]  }
0xf8: {  	v5 =	vld [tilespmem:s0+$0xFFFFFFB0]  }
0xf9: {  	v6 =	vld [tilespmem:s29+$0xFFFFFFB0]  }
0xfa: {  	v7 =	vld [tilespmem:s0+$0xFFFFFFC0]  }
0xfb: {  	v8 =	vld [tilespmem:s29+$0xFFFFFFC0]  }
0xfc: {  	v9 =	vld [tilespmem:s0+$0xFFFFFFD0];
	v1 =	vadd.f32 v2, v1  }
0xfd: {  	v10 =	vld [tilespmem:s29+$0xFFFFFFD0];
	v2 =	vadd.f32 v4, v3  }
0xfe: {  	v5 =	vadd.f32 v6, v5;
	v3 =	vld [tilespmem:s29+$0xFFFFFFE0];
	v4 =	vmul.f32 $5.000000000e-01, v1  }
0xff: {  	s30 =	sadd.s32 $0x102F0, s28;
	v1 =	vld [tilespmem:s0+$0xFFFFFFE0];
	v6 =	vmul.f32 $5.000000000e-01, v2  }
0x100: {  	v7 =	vadd.f32 v8, v7;
	v11 =	vmul.f32 $5.000000000e-01, v5;
	v2 =	vld [tilespmem:s0+$0xFFFFFFF0];
	[tilespmem:s30+$0x0] =	vst v4  }
0x101: {  	v5 =	vld [tilespmem:s29+$0xFFFFFFF0];
	[tilespmem:s30+$0xFFFFFFA0] =	vst v6  }
0x102: {  	s31 =	simm.s32 $0x0;
	v4 =	vld [tilespmem:s0+$0xFFFFFF90];
	[tilespmem:s30+$0xFFFFFFB0] =	vst v11;
	v6 =	vmul.f32 $5.000000000e-01, v7;
	v7 =	vadd.f32 v10, v9;
	s0 =	sadd.s32 $0x400, s0  }
.LBB2_13:
0x103: {  	v8 =	vld [tilespmem:s0+$0x0];
	s29 =	sadd.s32 $0x400, s29  }
0x104: {  	s31 =	sadd.s32 $0x80, s31;
	v9 =	vld [tilespmem:s29+$0x0];
	[tilespmem:s30+$0xFFFFFFC0] =	vst v6;
	v6 =	vmul.f32 $5.000000000e-01, v7;
	v1 =	vadd.f32 v3, v1  }
0x105: {  	p1 =	slt.u32 s31, $0x780;
	v3 =	vld [tilespmem:s29+$0xFFFFFF90]  }
0x106: {  	v7 =	vld [tilespmem:s0+$0xFFFFFFA0];
	[tilespmem:s30+$0xFFFFFFD0] =	vst v6;
	v1 =	vmul.f32 $5.000000000e-01, v1;
	v2 =	vadd.f32 v5, v2  }
0x107: {  	v5 =	vld [tilespmem:s29+$0xFFFFFFA0];
	v10 =	vadd.f32 v0, v4  }
0x108: {  	v4 =	vld [tilespmem:s0+$0xFFFFFFB0];
	[tilespmem:s30+$0xFFFFFFE0] =	vst v1;
	v1 =	vmul.f32 $5.000000000e-01, v2  }
0x109: {  	v2 =	vld [tilespmem:s29+$0xFFFFFFB0];
	v6 =	vadd.f32 v9, v8;
	v8 =	vmul.f32 $5.000000000e-01, v10  }
0x10a: {  	v9 =	vld [tilespmem:s0+$0xFFFFFFC0];
	[tilespmem:s30+$0xFFFFFFF0] =	vst v1;
	v0 =	vmov v3  }
0x10b: {  	v10 =	vld [tilespmem:s29+$0xFFFFFFC0];
	v1 =	vmul.f32 $5.000000000e-01, v6;
	[tilespmem:s30+$0xFFFFFF90] =	vst v8  }
0x10c: {  	s30 =	sadd.s32 $0x400, s30;
	v3 =	vadd.f32 v5, v7;
	v7 =	vld [tilespmem:s0+$0xFFFFFFD0]  }
0x10d: {  	v8 =	vld [tilespmem:s29+$0xFFFFFFD0];
	[tilespmem:s30+$0x0] =	vst v1  }
.Ltmp5:
0x10e: {  	v5 =	vmul.f32 $5.000000000e-01, v3;
	v2 =	vadd.f32 v2, v4;
	v1 =	vld [tilespmem:s0+$0xFFFFFFE0];
	(pc) =	sbr.rel @p1 .LBB2_13-.Ltmp5, $4  }
0x10f: {  	v3 =	vld [tilespmem:s29+$0xFFFFFFE0]  }
0x110: {  	[tilespmem:s30+$0xFFFFFFA0] =	vst v5;
	v6 =	vmul.f32 $5.000000000e-01, v2;
	v9 =	vadd.f32 v10, v9;
	v2 =	vld [tilespmem:s0+$0xFFFFFFF0]  }
0x111: {  	v5 =	vld [tilespmem:s29+$0xFFFFFFF0]  }
0x112: {  	v4 =	vld [tilespmem:s0+$0xFFFFFF90];
	[tilespmem:s30+$0xFFFFFFB0] =	vst v6;
	v6 =	vmul.f32 $5.000000000e-01, v9;
	v7 =	vadd.f32 v8, v7;
	s0 =	sadd.s32 $0x400, s0  }
0x113: {  	_ =	sdelay $0x1  }
0x114: {  	v1 =	vadd.f32 v3, v1  }
0x115: {  	v3 =	vmul.f32 $5.000000000e-01, v7;
	v2 =	vadd.f32 v5, v2  }
0x116: {  	[tilespmem:s30+$0xFFFFFFC0] =	vst v6;
	v1 =	vmul.f32 $5.000000000e-01, v1;
	v0 =	vadd.f32 v0, v4  }
0x117: {  	[tilespmem:s30+$0xFFFFFFD0] =	vst v3;
	v2 =	vmul.f32 $5.000000000e-01, v2  }
0x118: {  	[tilespmem:s30+$0xFFFFFFE0] =	vst v1;
	v0 =	vmul.f32 $5.000000000e-01, v0  }
0x119: {  	[tilespmem:s30+$0xFFFFFFF0] =	vst v2  }
0x11a: {  	s0 =	sadd.s32 $0x370, s25;
	[tilespmem:s30+$0xFFFFFF90] =	vst v0  }
0x11b: {  	s29 =	sadd.s32 $0x8370, s26;
	v1 =	vld [tilespmem:s0+$0x0]  }
0x11c: {  	v2 =	vld [tilespmem:s29+$0x0]  }
0x11d: {  	v0 =	vld [tilespmem:s29+$0xFFFFFF90]  }
0x11e: {  	v3 =	vld [tilespmem:s0+$0xFFFFFFA0]  }
0x11f: {  	v4 =	vld [tilespmem:s29+$0xFFFFFFA0]  }
0x120: {  	v5 =	vld [tilespmem:s0+$0xFFFFFFB0]  }
0x121: {  	v6 =	vld [tilespmem:s29+$0xFFFFFFB0]  }
0x122: {  	v7 =	vld [tilespmem:s0+$0xFFFFFFC0]  }
0x123: {  	v8 =	vld [tilespmem:s29+$0xFFFFFFC0]  }
0x124: {  	v9 =	vld [tilespmem:s0+$0xFFFFFFD0];
	v1 =	vadd.f32 v2, v1  }
0x125: {  	v10 =	vld [tilespmem:s29+$0xFFFFFFD0];
	v2 =	vadd.f32 v4, v3  }
0x126: {  	v5 =	vadd.f32 v6, v5;
	v3 =	vld [tilespmem:s29+$0xFFFFFFE0];
	v4 =	vmul.f32 $5.000000000e-01, v1  }
0x127: {  	s30 =	sadd.s32 $0x10370, s28;
	v1 =	vld [tilespmem:s0+$0xFFFFFFE0];
	v6 =	vmul.f32 $5.000000000e-01, v2  }
0x128: {  	v7 =	vadd.f32 v8, v7;
	v11 =	vmul.f32 $5.000000000e-01, v5;
	v2 =	vld [tilespmem:s0+$0xFFFFFFF0];
	[tilespmem:s30+$0x0] =	vst v4  }
0x129: {  	v5 =	vld [tilespmem:s29+$0xFFFFFFF0];
	[tilespmem:s30+$0xFFFFFFA0] =	vst v6  }
0x12a: {  	s31 =	simm.s32 $0x0;
	v4 =	vld [tilespmem:s0+$0xFFFFFF90];
	[tilespmem:s30+$0xFFFFFFB0] =	vst v11;
	v6 =	vmul.f32 $5.000000000e-01, v7;
	v7 =	vadd.f32 v10, v9;
	s0 =	sadd.s32 $0x400, s0  }
.LBB2_15:
0x12b: {  	v8 =	vld [tilespmem:s0+$0x0];
	s29 =	sadd.s32 $0x400, s29  }
0x12c: {  	s31 =	sadd.s32 $0x80, s31;
	v9 =	vld [tilespmem:s29+$0x0];
	[tilespmem:s30+$0xFFFFFFC0] =	vst v6;
	v6 =	vmul.f32 $5.000000000e-01, v7;
	v1 =	vadd.f32 v3, v1  }
0x12d: {  	p1 =	slt.u32 s31, $0x780;
	v3 =	vld [tilespmem:s29+$0xFFFFFF90]  }
0x12e: {  	v7 =	vld [tilespmem:s0+$0xFFFFFFA0];
	[tilespmem:s30+$0xFFFFFFD0] =	vst v6;
	v1 =	vmul.f32 $5.000000000e-01, v1;
	v2 =	vadd.f32 v5, v2  }
0x12f: {  	v5 =	vld [tilespmem:s29+$0xFFFFFFA0];
	v10 =	vadd.f32 v0, v4  }
0x130: {  	v4 =	vld [tilespmem:s0+$0xFFFFFFB0];
	[tilespmem:s30+$0xFFFFFFE0] =	vst v1;
	v1 =	vmul.f32 $5.000000000e-01, v2  }
0x131: {  	v2 =	vld [tilespmem:s29+$0xFFFFFFB0];
	v6 =	vadd.f32 v9, v8;
	v8 =	vmul.f32 $5.000000000e-01, v10  }
0x132: {  	v9 =	vld [tilespmem:s0+$0xFFFFFFC0];
	[tilespmem:s30+$0xFFFFFFF0] =	vst v1;
	v0 =	vmov v3  }
0x133: {  	v10 =	vld [tilespmem:s29+$0xFFFFFFC0];
	v1 =	vmul.f32 $5.000000000e-01, v6;
	[tilespmem:s30+$0xFFFFFF90] =	vst v8  }
0x134: {  	s30 =	sadd.s32 $0x400, s30;
	v3 =	vadd.f32 v5, v7;
	v7 =	vld [tilespmem:s0+$0xFFFFFFD0]  }
0x135: {  	v8 =	vld [tilespmem:s29+$0xFFFFFFD0];
	[tilespmem:s30+$0x0] =	vst v1  }
.Ltmp6:
0x136: {  	v5 =	vmul.f32 $5.000000000e-01, v3;
	v2 =	vadd.f32 v2, v4;
	v1 =	vld [tilespmem:s0+$0xFFFFFFE0];
	(pc) =	sbr.rel @p1 .LBB2_15-.Ltmp6, $4  }
0x137: {  	v3 =	vld [tilespmem:s29+$0xFFFFFFE0]  }
0x138: {  	[tilespmem:s30+$0xFFFFFFA0] =	vst v5;
	v6 =	vmul.f32 $5.000000000e-01, v2;
	v9 =	vadd.f32 v10, v9;
	v2 =	vld [tilespmem:s0+$0xFFFFFFF0]  }
0x139: {  	v5 =	vld [tilespmem:s29+$0xFFFFFFF0]  }
0x13a: {  	v4 =	vld [tilespmem:s0+$0xFFFFFF90];
	[tilespmem:s30+$0xFFFFFFB0] =	vst v6;
	v6 =	vmul.f32 $5.000000000e-01, v9;
	v7 =	vadd.f32 v8, v7;
	s0 =	sadd.s32 $0x400, s0  }
0x13b: {  	_ =	sdelay $0x1  }
0x13c: {  	v1 =	vadd.f32 v3, v1  }
0x13d: {  	v3 =	vmul.f32 $5.000000000e-01, v7;
	v2 =	vadd.f32 v5, v2  }
0x13e: {  	[tilespmem:s30+$0xFFFFFFC0] =	vst v6;
	v1 =	vmul.f32 $5.000000000e-01, v1;
	v0 =	vadd.f32 v0, v4  }
0x13f: {  	[tilespmem:s30+$0xFFFFFFD0] =	vst v3;
	v2 =	vmul.f32 $5.000000000e-01, v2  }
0x140: {  	[tilespmem:s30+$0xFFFFFFE0] =	vst v1;
	v0 =	vmul.f32 $5.000000000e-01, v0  }
0x141: {  	[tilespmem:s30+$0xFFFFFFF0] =	vst v2  }
0x142: {  	s0 =	sadd.s32 $0x3F0, s25;
	[tilespmem:s30+$0xFFFFFF90] =	vst v0  }
0x143: {  	s25 =	sadd.s32 $0x83F0, s26;
	v1 =	vld [tilespmem:s0+$0x0]  }
0x144: {  	v2 =	vld [tilespmem:s25+$0x0]  }
0x145: {  	v0 =	vld [tilespmem:s25+$0xFFFFFF90]  }
0x146: {  	v3 =	vld [tilespmem:s0+$0xFFFFFFA0]  }
0x147: {  	v4 =	vld [tilespmem:s25+$0xFFFFFFA0]  }
0x148: {  	v5 =	vld [tilespmem:s0+$0xFFFFFFB0]  }
0x149: {  	v6 =	vld [tilespmem:s25+$0xFFFFFFB0]  }
0x14a: {  	v7 =	vld [tilespmem:s0+$0xFFFFFFC0]  }
0x14b: {  	v8 =	vld [tilespmem:s25+$0xFFFFFFC0]  }
0x14c: {  	v9 =	vld [tilespmem:s0+$0xFFFFFFD0];
	v1 =	vadd.f32 v2, v1  }
0x14d: {  	v10 =	vld [tilespmem:s25+$0xFFFFFFD0];
	v2 =	vadd.f32 v4, v3  }
0x14e: {  	v5 =	vadd.f32 v6, v5;
	v3 =	vld [tilespmem:s25+$0xFFFFFFE0];
	v4 =	vmul.f32 $5.000000000e-01, v1  }
0x14f: {  	s26 =	sadd.s32 $0x103F0, s28;
	v1 =	vld [tilespmem:s0+$0xFFFFFFE0];
	v6 =	vmul.f32 $5.000000000e-01, v2  }
0x150: {  	v7 =	vadd.f32 v8, v7;
	v11 =	vmul.f32 $5.000000000e-01, v5;
	v2 =	vld [tilespmem:s0+$0xFFFFFFF0];
	[tilespmem:s26+$0x0] =	vst v4  }
0x151: {  	v5 =	vld [tilespmem:s25+$0xFFFFFFF0];
	[tilespmem:s26+$0xFFFFFFA0] =	vst v6  }
0x152: {  	s28 =	simm.s32 $0x0;
	v4 =	vld [tilespmem:s0+$0xFFFFFF90];
	[tilespmem:s26+$0xFFFFFFB0] =	vst v11;
	v6 =	vmul.f32 $5.000000000e-01, v7;
	v7 =	vadd.f32 v10, v9;
	s0 =	sadd.s32 $0x400, s0  }
.LBB2_17:
0x153: {  	v8 =	vld [tilespmem:s0+$0x0];
	s25 =	sadd.s32 $0x400, s25  }
0x154: {  	s28 =	sadd.s32 $0x80, s28;
	v9 =	vld [tilespmem:s25+$0x0];
	[tilespmem:s26+$0xFFFFFFC0] =	vst v6;
	v6 =	vmul.f32 $5.000000000e-01, v7;
	v1 =	vadd.f32 v3, v1  }
0x155: {  	p1 =	slt.u32 s28, $0x780;
	v3 =	vld [tilespmem:s25+$0xFFFFFF90]  }
0x156: {  	v7 =	vld [tilespmem:s0+$0xFFFFFFA0];
	[tilespmem:s26+$0xFFFFFFD0] =	vst v6;
	v1 =	vmul.f32 $5.000000000e-01, v1;
	v2 =	vadd.f32 v5, v2  }
0x157: {  	v5 =	vld [tilespmem:s25+$0xFFFFFFA0];
	v10 =	vadd.f32 v0, v4  }
0x158: {  	v4 =	vld [tilespmem:s0+$0xFFFFFFB0];
	[tilespmem:s26+$0xFFFFFFE0] =	vst v1;
	v1 =	vmul.f32 $5.000000000e-01, v2  }
0x159: {  	v2 =	vld [tilespmem:s25+$0xFFFFFFB0];
	v6 =	vadd.f32 v9, v8;
	v8 =	vmul.f32 $5.000000000e-01, v10  }
0x15a: {  	v9 =	vld [tilespmem:s0+$0xFFFFFFC0];
	[tilespmem:s26+$0xFFFFFFF0] =	vst v1;
	v0 =	vmov v3  }
0x15b: {  	v10 =	vld [tilespmem:s25+$0xFFFFFFC0];
	v1 =	vmul.f32 $5.000000000e-01, v6;
	[tilespmem:s26+$0xFFFFFF90] =	vst v8  }
0x15c: {  	s26 =	sadd.s32 $0x400, s26;
	v3 =	vadd.f32 v5, v7;
	v7 =	vld [tilespmem:s0+$0xFFFFFFD0]  }
0x15d: {  	v8 =	vld [tilespmem:s25+$0xFFFFFFD0];
	[tilespmem:s26+$0x0] =	vst v1  }
.Ltmp7:
0x15e: {  	v5 =	vmul.f32 $5.000000000e-01, v3;
	v2 =	vadd.f32 v2, v4;
	v1 =	vld [tilespmem:s0+$0xFFFFFFE0];
	(pc) =	sbr.rel @p1 .LBB2_17-.Ltmp7, $4  }
0x15f: {  	v3 =	vld [tilespmem:s25+$0xFFFFFFE0]  }
0x160: {  	[tilespmem:s26+$0xFFFFFFA0] =	vst v5;
	v6 =	vmul.f32 $5.000000000e-01, v2;
	v9 =	vadd.f32 v10, v9;
	v2 =	vld [tilespmem:s0+$0xFFFFFFF0]  }
0x161: {  	v5 =	vld [tilespmem:s25+$0xFFFFFFF0]  }
0x162: {  	v4 =	vld [tilespmem:s0+$0xFFFFFF90];
	[tilespmem:s26+$0xFFFFFFB0] =	vst v6;
	v6 =	vmul.f32 $5.000000000e-01, v9;
	v7 =	vadd.f32 v8, v7;
	s0 =	sadd.s32 $0x400, s0  }
0x163: {  	_ =	sdelay $0x1  }
0x164: {  	v1 =	vadd.f32 v3, v1  }
0x165: {  	v63 =	vmul.f32 $5.000000000e-01, v7;
	v2 =	vadd.f32 v5, v2  }
0x166: {  	[tilespmem:s26+$0xFFFFFFC0] =	vst v6;
	v1 =	vmul.f32 $5.000000000e-01, v1;
	v0 =	vadd.f32 v0, v4  }
0x167: {  	[tilespmem:s26+$0xFFFFFFD0] =	vst v63;
	v2 =	vmul.f32 $5.000000000e-01, v2  }
0x168: {  	p1 =	sne.s32 s20, s19;
	[tilespmem:s26+$0xFFFFFFE0] =	vst v1;
	v0 =	vmul.f32 $5.000000000e-01, v0  }
0x169: {  	p0 =	por p0, p1;
	[tilespmem:s26+$0xFFFFFFF0] =	vst v2  }
0x16a: {  	p1 =	seq.s32 s18, $0x0;
	s0 =	sshll.u32 @p0 s24, $0xB;
	[tilespmem:s26+$0xFFFFFF90] =	vst v0  }
0x16b: {  	s20 =	sadd.s32 @p0 $0x5, s21;
	s0 =	sand.u32 @p0 $0x1FFFF800, s0;
	_ =	strace $0x9000004D  }
0x16c: {  	s21 =	simm.s32 @p0 $0x0;
	s0 =	sadd.s32 @p0 s5, s0;
	_ =	strace @p0 $0x8000004E  }
0x16d: {  	[hbm4b:s0+s21] =	stream.linear.scatter @p0 [tilespmem:s23], [sflag:s20], $0x4000, $0x200038;
	[tilespmem:$0x18000] =	vst v63  }
0x16e: {  	s0 =	sand.u32 @!p1 $0x1, s12;
	_ =	strace @p0 $0x9000004E  }
0x16f: {  	s0 =	sadd.s32 @!p1 $0x5, s0;
	_ =	strace @!p1 $0x8000004F  }
0x170: {  	s20 =	simm.s32 $0x1;
	_ =	swait.ge @!p1 [sflag:s0], $0x4000  }
0x171: {  	s20 =	simm.s32 @!p0 $0x0;
	p0 =	sne.s32 s18, $0x0;
	[sflag:s0] =	ssyncset.done @!p1 $0x0  }
0x172: {  	s18 =	sadd.s32 $0x1, s18;
	[sflag:s0] =	ssyncadd.s32 @!p1 $0xFFFFC000;
	s0 =	simm.s32 $0x1  }
0x173: {  	s0 =	simm.s32 @!p0 $0x0;
	p0 =	sne.s32 s18, $0x8  }
.Ltmp8:
0x174: {  	_ = 	snop;
	(pc) =	sbr.rel @p0 .LBB2_2-.Ltmp8, $4  }
0x175: {  	_ = 	snop  }
0x176: {  	s15 =	sadd.s32 s15, s22  }
0x177: {  	s13 =	sadd.s32 s20, s13;
	s16 =	sadd.s32 s20, s16;
	s14 =	sadd.s32 s20, s14  }
0x178: {  	s20 =	smov.u32 s19;
	_ =	strace @!p1 $0x9000004F;
	s12 =	sadd.s32 s0, s12  }
0x179: {  	s11 =	sadd.s32 $0x1, s11  }
0x17a: {  	p0 =	sne.s32 s11, s8  }
.Ltmp9:
0x17b: {  	_ =	strace $0x80000050;
	(pc) =	sbr.rel @p0 .LBB2_1-.Ltmp9, $4  }
0x17c: {  	_ =	swait.ge [sflag:s10], $0x4000  }
0x17d: {  	[sflag:s10] =	ssyncset.done $0x0  }
0x17e: {  	[sflag:s10] =	ssyncadd.s32 $0xFFFFC000  }
0x17f: {  	_ =	strace $0x90000050  }
0x180: {  	_ =	sfence.sel $0x180000  }
0x181: {  	[bflag:$0x0] =	sbarrier.arrive $0xFFFF  }
0x182: {  	_ =	strace $0x90000047  }
0x183: {  	[bflag:$0x2] =	sbarrier.arrive $0xFFFF  }
0x184: {  	p0 =	sne.s32 s1, $0x0;
	s0 =	rddreg [dreg:$0x2]  }
0x185: {  	s0 =	sadd.s32 @!p0 $0x100000, s0  }
0x186: {  	[sflag:s0] =	ssyncadd.tile.s32 @!p0 $0x1;
	_ =	shalt  }
.Lfunc_end2:
_tile_overlayer_lowered:
.L_overlay_start_2:
0x187: {  	(tag) =	ssettag $0x2  }
0x188: {  	s0 =	rddreg [dreg:$0x0];
	s2 =	stileid.u32  }
0x189: {  	s1 =	rddreg [dreg:$0x1];
	p0 =	sne.s32 s2, $0x0  }
0x18a: {  	s3 =	rddreg [dreg:$0x2];
	[bflag:$0x3] =	sbarrier.arrive $0xFFFF;
	s2 =	simm.s32 @!p0 $0x1C01  }
0x18b: {  	[timem:s3], [sflag:s2] =	dma.local @!p0 [hbm:s0], s1  }
0x18c: {  	s0 =	simm.s32 @!p0 $0x1  }
0x18d: {  	_ =	swait.ge @!p0 [sflag:s0], s1  }
0x18e: {  	s1 =	ssub.s32 @!p0 $0x0, s1;
	[sflag:s0] =	ssyncset.done @!p0 $0x0  }
0x18f: {  	[sflag:s0] =	ssyncadd.s32 @!p0 s1  }
0x190: {  	[bflag:$0x3] =	sbarrier.arrive $0xFFFF  }
0x191: {  	_ =	shalt  }

</sc_bundles>
